<compile_context>
chip_gen: v7x
topology: tpu7x:2x2x1
jax: 0.10.2.dev20260603
libtpu: 0.0.44.dev20260713+nightly
codegen_flags: <defaults>
</compile_context>

<pallas_src>
import functools
import math

import jax
import jax.numpy as jnp
from jax import lax
from jax.experimental import pallas as pl
from jax.experimental.pallas import tpu as pltpu
from jax.experimental.pallas import tpu_sc as plsc

_NC = 2
_NS = 16
_NW = _NC * _NS
_LANES = 16
_IDX_W = 128
_LN10 = math.log(10.0)


@functools.partial(jax.jit, static_argnames=("rows_per_w",))
def _run(mu, log_sigma, noise2d, ids2d, rows_per_w):
    mesh = plsc.VectorSubcoreMesh(core_axis_name="c", subcore_axis_name="s")

    @functools.partial(
        pl.kernel,
        out_type=jax.ShapeDtypeStruct(noise2d.shape, jnp.float32),
        mesh=mesh,
        scratch_types=[
            pltpu.VMEM((rows_per_w, _IDX_W), jnp.int32),
            pltpu.VMEM((rows_per_w, _IDX_W), jnp.float32),
            pltpu.VMEM((rows_per_w, _IDX_W), jnp.float32),
            pltpu.VMEM((rows_per_w, _IDX_W), jnp.float32),
            pltpu.VMEM((rows_per_w, _IDX_W), jnp.float32),
            pltpu.SemaphoreType.DMA,
            pltpu.SemaphoreType.DMA,
            [pltpu.SemaphoreType.DMA] * rows_per_w,
        ],
    )
    def body(mu_hbm, ls_hbm, noise_hbm, ids_hbm, out_hbm,
             idx_v, mu_v, ls_v, noise_v, out_v,
             sem_idx, sem_noise, sems_g):
        wid = lax.axis_index("s") * _NC + lax.axis_index("c")
        base = wid * rows_per_w
        ids_cp = pltpu.async_copy(ids_hbm.at[pl.ds(base, rows_per_w)], idx_v, sem_idx)
        noise_cp = pltpu.async_copy(noise_hbm.at[pl.ds(base, rows_per_w)], noise_v, sem_noise)
        ids_cp.wait()
        copies = []
        for j in range(rows_per_w):
            copies.append((
                pltpu.async_copy(mu_hbm.at[idx_v.at[j]], mu_v.at[j], sems_g[j]),
                pltpu.async_copy(ls_hbm.at[idx_v.at[j]], ls_v.at[j], sems_g[j]),
            ))
        noise_cp.wait()
        for j in range(rows_per_w):
            copies[j][0].wait()
            copies[j][1].wait()

            def compute_block(i, _, j=j):
                sl = pl.ds(i * _LANES, _LANES)
                m = mu_v[j, sl]
                g = ls_v[j, sl]
                nz = noise_v[j, sl]
                out_v[j, sl] = jnp.exp((m + jnp.exp(g) * nz) * _LN10)
                return _

            lax.fori_loop(0, _IDX_W // _LANES, compute_block, 0)
        pltpu.sync_copy(out_v, out_hbm.at[pl.ds(base, rows_per_w)])

    return body(mu, log_sigma, noise2d, ids2d)


def kernel(mu, log_sigma, noise, family_ids, batch_size):
    b = noise.shape[0]
    rows = b // _IDX_W
    rows_per_w = rows // _NW
    noise2d = noise.reshape(rows, _IDX_W)
    ids2d = family_ids.reshape(rows, _IDX_W)
    out = _run(mu, log_sigma, noise2d, ids2d, rows_per_w)
    return out.reshape(b)

# --- scband reference (transcript-rebuilt; emitter-appended) ---
"""Pipeline reference for scband-log-normal-concentration-11836929867934 (READ-ONLY COPY).

The authoritative reference and input builder live on the scoring server;
editing this copy changes nothing except your own understanding.
"""

import jax, jax.numpy as jnp
import numpy as np

N_FAMILIES = 1000000
BATCH = 16384

def setup_inputs(seed: int = 0) -> dict:
    key = jax.random.key(seed)
    k_ids, k_noise = jax.random.split(key)
    family_ids = jax.random.randint(k_ids, (BATCH,), 0, N_FAMILIES, dtype=jnp.int32)
    # Buffers per torch __init__: mu = init_mean * ones(n_families); log_sigma = log(init_scale) * ones
    mu = jnp.full((N_FAMILIES,), -6.0, dtype=jnp.float32)
    log_sigma = jnp.zeros((N_FAMILIES,), dtype=jnp.float32)  # log(1.0) = 0
    # rsample noise: standard normal, reparameterization trick
    noise = jax.random.normal(k_noise, (BATCH,), dtype=jnp.float32)
    return {"mu": mu, "log_sigma": log_sigma, "noise": noise, "family_ids": family_ids, "batch_size": BATCH}

def reference(mu, log_sigma, noise, family_ids, batch_size):
    # sample(batch_size, family_ids):
    #   batch_mu = self.mu[family_ids]            (gather)
    #   batch_sigma = exp(self.log_sigma[family_ids])  (gather)
    #   log_c = Normal(batch_mu, batch_sigma).rsample() = mu + sigma * eps
    #   return 10 ** log_c
    batch_mu = jnp.take(mu, family_ids, axis=0)
    batch_sigma = jnp.exp(jnp.take(log_sigma, family_ids, axis=0))
    log_c = batch_mu + batch_sigma * noise
    return jnp.power(10.0, log_c)

if __name__ == "__main__":
    import jax
    _d = setup_inputs()
    print(jax.jit(kernel)(*tuple(_d.values())))

</pallas_src>

<mosaic_0001>
#map = affine_map<(d0, d1) -> (0)>
#map1 = affine_map<(d0, d1) -> (0, 0)>
module attributes {stable_mosaic.version = 14 : i64} {
  func.func @body(%arg0: i32, %arg1: i32, %arg2: memref<1000000xf32, #tpu.memory_space<hbm>>, %arg3: memref<1000000xf32, #tpu.memory_space<hbm>>, %arg4: memref<128x128xf32, #tpu.memory_space<hbm>>, %arg5: memref<128x128xi32, #tpu.memory_space<hbm>>, %arg6: memref<128x128xf32, #tpu.memory_space<hbm>>, %arg7: memref<4x128xi32, #tpu.memory_space<vmem>>, %arg8: memref<4x128xf32, #tpu.memory_space<vmem>>, %arg9: memref<4x128xf32, #tpu.memory_space<vmem>>, %arg10: memref<4x128xf32, #tpu.memory_space<vmem>>, %arg11: memref<4x128xf32, #tpu.memory_space<vmem>>, %arg12: memref<!tpu.dma_semaphore, #tpu.memory_space<semaphore_mem>>, %arg13: memref<!tpu.dma_semaphore, #tpu.memory_space<semaphore_mem>>, %arg14: memref<!tpu.dma_semaphore, #tpu.memory_space<semaphore_mem>>, %arg15: memref<!tpu.dma_semaphore, #tpu.memory_space<semaphore_mem>>, %arg16: memref<!tpu.dma_semaphore, #tpu.memory_space<semaphore_mem>>, %arg17: memref<!tpu.dma_semaphore, #tpu.memory_space<semaphore_mem>>) attributes {dimension_semantics = [#tpu.dimension_semantics<core_parallel>, #tpu.dimension_semantics<subcore_parallel>], iteration_bounds = array<i64: 2, 16>, scalar_prefetch = 0 : i64, scratch_operands = 11 : i64, tpu.core_type = #tpu.core_type<sc_vector_subcore>, window_params = [{transform_indices = #map}, {transform_indices = #map}, {transform_indices = #map1}, {transform_indices = #map1}, {transform_indices = #map1}]} {
    %mul3A = arith.constant 2 : i32
    %mul3A_0 = arith.muli %arg1, %mul3A : i32
    %add3A = arith.addi %mul3A_0, %arg0 : i32
    %mul3A_1 = arith.constant 4 : i32
    %mul3A_2 = arith.muli %add3A, %mul3A_1 : i32
    %dma_start3A = arith.constant 0 : i32
    %dma_start3A_3 = tpu.memref_slice %arg5[%mul3A_2, %dma_start3A] : memref<128x128xi32, #tpu.memory_space<hbm>> -> memref<4x128xi32, #tpu.memory_space<hbm>>
    %dma_start3A_4 = arith.constant 0 : i32
    %dma_start3A_5 = tpu.memref_slice %arg5[%mul3A_2, %dma_start3A_4] : memref<128x128xi32, #tpu.memory_space<hbm>> -> memref<4x128xi32, #tpu.memory_space<hbm>>
    tpu.enqueue_dma source(%dma_start3A_5 : memref<4x128xi32, #tpu.memory_space<hbm>>) target(%arg7 : memref<4x128xi32, #tpu.memory_space<vmem>>) target_semaphore(%arg12 : memref<!tpu.dma_semaphore, #tpu.memory_space<semaphore_mem>>)
    %dma_start3A_6 = arith.constant 0 : i32
    %dma_start3A_7 = tpu.memref_slice %arg4[%mul3A_2, %dma_start3A_6] : memref<128x128xf32, #tpu.memory_space<hbm>> -> memref<4x128xf32, #tpu.memory_space<hbm>>
    %dma_start3A_8 = arith.constant 0 : i32
    %dma_start3A_9 = tpu.memref_slice %arg4[%mul3A_2, %dma_start3A_8] : memref<128x128xf32, #tpu.memory_space<hbm>> -> memref<4x128xf32, #tpu.memory_space<hbm>>
    tpu.enqueue_dma source(%dma_start3A_9 : memref<4x128xf32, #tpu.memory_space<hbm>>) target(%arg10 : memref<4x128xf32, #tpu.memory_space<vmem>>) target_semaphore(%arg13 : memref<!tpu.dma_semaphore, #tpu.memory_space<semaphore_mem>>)
    %dma_wait3A = arith.constant 0 : i32
    %dma_wait3A_10 = tpu.memref_slice %arg5[%mul3A_2, %dma_wait3A] : memref<128x128xi32, #tpu.memory_space<hbm>> -> memref<4x128xi32, #tpu.memory_space<hbm>>
    %dma_wait3A_11 = arith.constant 0 : i32
    %dma_wait3A_12 = tpu.memref_slice %arg5[%mul3A_2, %dma_wait3A_11] : memref<128x128xi32, #tpu.memory_space<hbm>> -> memref<4x128xi32, #tpu.memory_space<hbm>>
    tpu.wait_dma2 semaphore(%arg12 : memref<!tpu.dma_semaphore, #tpu.memory_space<semaphore_mem>>) src(%dma_wait3A_12 : memref<4x128xi32, #tpu.memory_space<hbm>>) dst(%arg7 : memref<4x128xi32, #tpu.memory_space<vmem>>)
    %dma_start3A_13 = arith.constant 0 : i32
    %dma_start3A_14 = arith.constant 0 : i32
    %dma_start3A_15 = arith.constant 0 : i32
    %dma_start3A_16 = tpu.memref_slice %arg8[%dma_start3A_14, %dma_start3A_15] : memref<4x128xf32, #tpu.memory_space<vmem>> -> memref<1x128xf32, #tpu.memory_space<vmem>>
    %dma_start3A_17 = tpu.memref_squeeze %dma_start3A_16 : memref<1x128xf32, #tpu.memory_space<vmem>> -> memref<128xf32, #tpu.memory_space<vmem>>
    %dma_start3A_18 = arith.constant 0 : i32
    %dma_start3A_19 = tpu.memref_slice %arg7[%dma_start3A_13, %dma_start3A_18] : memref<4x128xi32, #tpu.memory_space<vmem>> -> memref<1x128xi32, #tpu.memory_space<vmem>>
    %dma_start3A_20 = tpu.memref_squeeze %dma_start3A_19 : memref<1x128xi32, #tpu.memory_space<vmem>> -> memref<128xi32, #tpu.memory_space<vmem>>
    %dma_start3A_21 = arith.constant 0 : i32
    %dma_start3A_22 = tpu.memref_slice %arg2[%dma_start3A_21] : memref<1000000xf32, #tpu.memory_space<hbm>> -> memref<1000000xf32, #tpu.memory_space<hbm>>
    tpu.enqueue_indirect_dma source(%dma_start3A_22 : memref<1000000xf32, #tpu.memory_space<hbm>>) target(%dma_start3A_17 : memref<128xf32, #tpu.memory_space<vmem>>) offsets(%dma_start3A_20 : memref<128xi32, #tpu.memory_space<vmem>>) semaphore(%arg14 : memref<!tpu.dma_semaphore, #tpu.memory_space<semaphore_mem>>)
    %dma_start3A_23 = arith.constant 0 : i32
    %dma_start3A_24 = arith.constant 0 : i32
    %dma_start3A_25 = arith.constant 0 : i32
    %dma_start3A_26 = tpu.memref_slice %arg9[%dma_start3A_24, %dma_start3A_25] : memref<4x128xf32, #tpu.memory_space<vmem>> -> memref<1x128xf32, #tpu.memory_space<vmem>>
    %dma_start3A_27 = tpu.memref_squeeze %dma_start3A_26 : memref<1x128xf32, #tpu.memory_space<vmem>> -> memref<128xf32, #tpu.memory_space<vmem>>
    %dma_start3A_28 = arith.constant 0 : i32
    %dma_start3A_29 = tpu.memref_slice %arg7[%dma_start3A_23, %dma_start3A_28] : memref<4x128xi32, #tpu.memory_space<vmem>> -> memref<1x128xi32, #tpu.memory_space<vmem>>
    %dma_start3A_30 = tpu.memref_squeeze %dma_start3A_29 : memref<1x128xi32, #tpu.memory_space<vmem>> -> memref<128xi32, #tpu.memory_space<vmem>>
    %dma_start3A_31 = arith.constant 0 : i32
    %dma_start3A_32 = tpu.memref_slice %arg3[%dma_start3A_31] : memref<1000000xf32, #tpu.memory_space<hbm>> -> memref<1000000xf32, #tpu.memory_space<hbm>>
    tpu.enqueue_indirect_dma source(%dma_start3A_32 : memref<1000000xf32, #tpu.memory_space<hbm>>) target(%dma_start3A_27 : memref<128xf32, #tpu.memory_space<vmem>>) offsets(%dma_start3A_30 : memref<128xi32, #tpu.memory_space<vmem>>) semaphore(%arg14 : memref<!tpu.dma_semaphore, #tpu.memory_space<semaphore_mem>>)
    %dma_start3A_33 = arith.constant 1 : i32
    %dma_start3A_34 = arith.constant 1 : i32
    %dma_start3A_35 = arith.constant 0 : i32
    %dma_start3A_36 = tpu.memref_slice %arg8[%dma_start3A_34, %dma_start3A_35] : memref<4x128xf32, #tpu.memory_space<vmem>> -> memref<1x128xf32, #tpu.memory_space<vmem>>
    %dma_start3A_37 = tpu.memref_squeeze %dma_start3A_36 : memref<1x128xf32, #tpu.memory_space<vmem>> -> memref<128xf32, #tpu.memory_space<vmem>>
    %dma_start3A_38 = arith.constant 0 : i32
    %dma_start3A_39 = tpu.memref_slice %arg7[%dma_start3A_33, %dma_start3A_38] : memref<4x128xi32, #tpu.memory_space<vmem>> -> memref<1x128xi32, #tpu.memory_space<vmem>>
    %dma_start3A_40 = tpu.memref_squeeze %dma_start3A_39 : memref<1x128xi32, #tpu.memory_space<vmem>> -> memref<128xi32, #tpu.memory_space<vmem>>
    %dma_start3A_41 = arith.constant 0 : i32
    %dma_start3A_42 = tpu.memref_slice %arg2[%dma_start3A_41] : memref<1000000xf32, #tpu.memory_space<hbm>> -> memref<1000000xf32, #tpu.memory_space<hbm>>
    tpu.enqueue_indirect_dma source(%dma_start3A_42 : memref<1000000xf32, #tpu.memory_space<hbm>>) target(%dma_start3A_37 : memref<128xf32, #tpu.memory_space<vmem>>) offsets(%dma_start3A_40 : memref<128xi32, #tpu.memory_space<vmem>>) semaphore(%arg15 : memref<!tpu.dma_semaphore, #tpu.memory_space<semaphore_mem>>)
    %dma_start3A_43 = arith.constant 1 : i32
    %dma_start3A_44 = arith.constant 1 : i32
    %dma_start3A_45 = arith.constant 0 : i32
    %dma_start3A_46 = tpu.memref_slice %arg9[%dma_start3A_44, %dma_start3A_45] : memref<4x128xf32, #tpu.memory_space<vmem>> -> memref<1x128xf32, #tpu.memory_space<vmem>>
    %dma_start3A_47 = tpu.memref_squeeze %dma_start3A_46 : memref<1x128xf32, #tpu.memory_space<vmem>> -> memref<128xf32, #tpu.memory_space<vmem>>
    %dma_start3A_48 = arith.constant 0 : i32
    %dma_start3A_49 = tpu.memref_slice %arg7[%dma_start3A_43, %dma_start3A_48] : memref<4x128xi32, #tpu.memory_space<vmem>> -> memref<1x128xi32, #tpu.memory_space<vmem>>
    %dma_start3A_50 = tpu.memref_squeeze %dma_start3A_49 : memref<1x128xi32, #tpu.memory_space<vmem>> -> memref<128xi32, #tpu.memory_space<vmem>>
    %dma_start3A_51 = arith.constant 0 : i32
    %dma_start3A_52 = tpu.memref_slice %arg3[%dma_start3A_51] : memref<1000000xf32, #tpu.memory_space<hbm>> -> memref<1000000xf32, #tpu.memory_space<hbm>>
    tpu.enqueue_indirect_dma source(%dma_start3A_52 : memref<1000000xf32, #tpu.memory_space<hbm>>) target(%dma_start3A_47 : memref<128xf32, #tpu.memory_space<vmem>>) offsets(%dma_start3A_50 : memref<128xi32, #tpu.memory_space<vmem>>) semaphore(%arg15 : memref<!tpu.dma_semaphore, #tpu.memory_space<semaphore_mem>>)
    %dma_start3A_53 = arith.constant 2 : i32
    %dma_start3A_54 = arith.constant 2 : i32
    %dma_start3A_55 = arith.constant 0 : i32
    %dma_start3A_56 = tpu.memref_slice %arg8[%dma_start3A_54, %dma_start3A_55] : memref<4x128xf32, #tpu.memory_space<vmem>> -> memref<1x128xf32, #tpu.memory_space<vmem>>
    %dma_start3A_57 = tpu.memref_squeeze %dma_start3A_56 : memref<1x128xf32, #tpu.memory_space<vmem>> -> memref<128xf32, #tpu.memory_space<vmem>>
    %dma_start3A_58 = arith.constant 0 : i32
    %dma_start3A_59 = tpu.memref_slice %arg7[%dma_start3A_53, %dma_start3A_58] : memref<4x128xi32, #tpu.memory_space<vmem>> -> memref<1x128xi32, #tpu.memory_space<vmem>>
    %dma_start3A_60 = tpu.memref_squeeze %dma_start3A_59 : memref<1x128xi32, #tpu.memory_space<vmem>> -> memref<128xi32, #tpu.memory_space<vmem>>
    %dma_start3A_61 = arith.constant 0 : i32
    %dma_start3A_62 = tpu.memref_slice %arg2[%dma_start3A_61] : memref<1000000xf32, #tpu.memory_space<hbm>> -> memref<1000000xf32, #tpu.memory_space<hbm>>
    tpu.enqueue_indirect_dma source(%dma_start3A_62 : memref<1000000xf32, #tpu.memory_space<hbm>>) target(%dma_start3A_57 : memref<128xf32, #tpu.memory_space<vmem>>) offsets(%dma_start3A_60 : memref<128xi32, #tpu.memory_space<vmem>>) semaphore(%arg16 : memref<!tpu.dma_semaphore, #tpu.memory_space<semaphore_mem>>)
    %dma_start3A_63 = arith.constant 2 : i32
    %dma_start3A_64 = arith.constant 2 : i32
    %dma_start3A_65 = arith.constant 0 : i32
    %dma_start3A_66 = tpu.memref_slice %arg9[%dma_start3A_64, %dma_start3A_65] : memref<4x128xf32, #tpu.memory_space<vmem>> -> memref<1x128xf32, #tpu.memory_space<vmem>>
    %dma_start3A_67 = tpu.memref_squeeze %dma_start3A_66 : memref<1x128xf32, #tpu.memory_space<vmem>> -> memref<128xf32, #tpu.memory_space<vmem>>
    %dma_start3A_68 = arith.constant 0 : i32
    %dma_start3A_69 = tpu.memref_slice %arg7[%dma_start3A_63, %dma_start3A_68] : memref<4x128xi32, #tpu.memory_space<vmem>> -> memref<1x128xi32, #tpu.memory_space<vmem>>
    %dma_start3A_70 = tpu.memref_squeeze %dma_start3A_69 : memref<1x128xi32, #tpu.memory_space<vmem>> -> memref<128xi32, #tpu.memory_space<vmem>>
    %dma_start3A_71 = arith.constant 0 : i32
    %dma_start3A_72 = tpu.memref_slice %arg3[%dma_start3A_71] : memref<1000000xf32, #tpu.memory_space<hbm>> -> memref<1000000xf32, #tpu.memory_space<hbm>>
    tpu.enqueue_indirect_dma source(%dma_start3A_72 : memref<1000000xf32, #tpu.memory_space<hbm>>) target(%dma_start3A_67 : memref<128xf32, #tpu.memory_space<vmem>>) offsets(%dma_start3A_70 : memref<128xi32, #tpu.memory_space<vmem>>) semaphore(%arg16 : memref<!tpu.dma_semaphore, #tpu.memory_space<semaphore_mem>>)
    %dma_start3A_73 = arith.constant 3 : i32
    %dma_start3A_74 = arith.constant 3 : i32
    %dma_start3A_75 = arith.constant 0 : i32
    %dma_start3A_76 = tpu.memref_slice %arg8[%dma_start3A_74, %dma_start3A_75] : memref<4x128xf32, #tpu.memory_space<vmem>> -> memref<1x128xf32, #tpu.memory_space<vmem>>
    %dma_start3A_77 = tpu.memref_squeeze %dma_start3A_76 : memref<1x128xf32, #tpu.memory_space<vmem>> -> memref<128xf32, #tpu.memory_space<vmem>>
    %dma_start3A_78 = arith.constant 0 : i32
    %dma_start3A_79 = tpu.memref_slice %arg7[%dma_start3A_73, %dma_start3A_78] : memref<4x128xi32, #tpu.memory_space<vmem>> -> memref<1x128xi32, #tpu.memory_space<vmem>>
    %dma_start3A_80 = tpu.memref_squeeze %dma_start3A_79 : memref<1x128xi32, #tpu.memory_space<vmem>> -> memref<128xi32, #tpu.memory_space<vmem>>
    %dma_start3A_81 = arith.constant 0 : i32
    %dma_start3A_82 = tpu.memref_slice %arg2[%dma_start3A_81] : memref<1000000xf32, #tpu.memory_space<hbm>> -> memref<1000000xf32, #tpu.memory_space<hbm>>
    tpu.enqueue_indirect_dma source(%dma_start3A_82 : memref<1000000xf32, #tpu.memory_space<hbm>>) target(%dma_start3A_77 : memref<128xf32, #tpu.memory_space<vmem>>) offsets(%dma_start3A_80 : memref<128xi32, #tpu.memory_space<vmem>>) semaphore(%arg17 : memref<!tpu.dma_semaphore, #tpu.memory_space<semaphore_mem>>)
    %dma_start3A_83 = arith.constant 3 : i32
    %dma_start3A_84 = arith.constant 3 : i32
    %dma_start3A_85 = arith.constant 0 : i32
    %dma_start3A_86 = tpu.memref_slice %arg9[%dma_start3A_84, %dma_start3A_85] : memref<4x128xf32, #tpu.memory_space<vmem>> -> memref<1x128xf32, #tpu.memory_space<vmem>>
    %dma_start3A_87 = tpu.memref_squeeze %dma_start3A_86 : memref<1x128xf32, #tpu.memory_space<vmem>> -> memref<128xf32, #tpu.memory_space<vmem>>
    %dma_start3A_88 = arith.constant 0 : i32
    %dma_start3A_89 = tpu.memref_slice %arg7[%dma_start3A_83, %dma_start3A_88] : memref<4x128xi32, #tpu.memory_space<vmem>> -> memref<1x128xi32, #tpu.memory_space<vmem>>
    %dma_start3A_90 = tpu.memref_squeeze %dma_start3A_89 : memref<1x128xi32, #tpu.memory_space<vmem>> -> memref<128xi32, #tpu.memory_space<vmem>>
    %dma_start3A_91 = arith.constant 0 : i32
    %dma_start3A_92 = tpu.memref_slice %arg3[%dma_start3A_91] : memref<1000000xf32, #tpu.memory_space<hbm>> -> memref<1000000xf32, #tpu.memory_space<hbm>>
    tpu.enqueue_indirect_dma source(%dma_start3A_92 : memref<1000000xf32, #tpu.memory_space<hbm>>) target(%dma_start3A_87 : memref<128xf32, #tpu.memory_space<vmem>>) offsets(%dma_start3A_90 : memref<128xi32, #tpu.memory_space<vmem>>) semaphore(%arg17 : memref<!tpu.dma_semaphore, #tpu.memory_space<semaphore_mem>>)
    %dma_wait3A_93 = arith.constant 0 : i32
    %dma_wait3A_94 = tpu.memref_slice %arg4[%mul3A_2, %dma_wait3A_93] : memref<128x128xf32, #tpu.memory_space<hbm>> -> memref<4x128xf32, #tpu.memory_space<hbm>>
    %dma_wait3A_95 = arith.constant 0 : i32
    %dma_wait3A_96 = tpu.memref_slice %arg4[%mul3A_2, %dma_wait3A_95] : memref<128x128xf32, #tpu.memory_space<hbm>> -> memref<4x128xf32, #tpu.memory_space<hbm>>
    tpu.wait_dma2 semaphore(%arg13 : memref<!tpu.dma_semaphore, #tpu.memory_space<semaphore_mem>>) src(%dma_wait3A_96 : memref<4x128xf32, #tpu.memory_space<hbm>>) dst(%arg10 : memref<4x128xf32, #tpu.memory_space<vmem>>)
    %dma_wait3A_97 = arith.constant 0 : i32
    %dma_wait3A_98 = arith.constant 0 : i32
    %dma_wait3A_99 = arith.constant 0 : i32
    %dma_wait3A_100 = tpu.memref_slice %arg8[%dma_wait3A_98, %dma_wait3A_99] : memref<4x128xf32, #tpu.memory_space<vmem>> -> memref<1x128xf32, #tpu.memory_space<vmem>>
    %dma_wait3A_101 = tpu.memref_squeeze %dma_wait3A_100 : memref<1x128xf32, #tpu.memory_space<vmem>> -> memref<128xf32, #tpu.memory_space<vmem>>
    %dma_wait3A_102 = arith.constant 0 : i32
    %dma_wait3A_103 = tpu.memref_slice %arg7[%dma_wait3A_97, %dma_wait3A_102] : memref<4x128xi32, #tpu.memory_space<vmem>> -> memref<1x128xi32, #tpu.memory_space<vmem>>
    %dma_wait3A_104 = tpu.memref_squeeze %dma_wait3A_103 : memref<1x128xi32, #tpu.memory_space<vmem>> -> memref<128xi32, #tpu.memory_space<vmem>>
    %dma_wait3A_105 = arith.constant 0 : i32
    %dma_wait3A_106 = tpu.memref_slice %arg2[%dma_wait3A_105] : memref<1000000xf32, #tpu.memory_space<hbm>> -> memref<1000000xf32, #tpu.memory_space<hbm>>
    tpu.wait_indirect_dma semaphore(%arg14 : memref<!tpu.dma_semaphore, #tpu.memory_space<semaphore_mem>>) src(%dma_wait3A_106 : memref<1000000xf32, #tpu.memory_space<hbm>>) dst(%dma_wait3A_101 : memref<128xf32, #tpu.memory_space<vmem>>)
    %dma_wait3A_107 = arith.constant 0 : i32
    %dma_wait3A_108 = arith.constant 0 : i32
    %dma_wait3A_109 = arith.constant 0 : i32
    %dma_wait3A_110 = tpu.memref_slice %arg9[%dma_wait3A_108, %dma_wait3A_109] : memref<4x128xf32, #tpu.memory_space<vmem>> -> memref<1x128xf32, #tpu.memory_space<vmem>>
    %dma_wait3A_111 = tpu.memref_squeeze %dma_wait3A_110 : memref<1x128xf32, #tpu.memory_space<vmem>> -> memref<128xf32, #tpu.memory_space<vmem>>
    %dma_wait3A_112 = arith.constant 0 : i32
    %dma_wait3A_113 = tpu.memref_slice %arg7[%dma_wait3A_107, %dma_wait3A_112] : memref<4x128xi32, #tpu.memory_space<vmem>> -> memref<1x128xi32, #tpu.memory_space<vmem>>
    %dma_wait3A_114 = tpu.memref_squeeze %dma_wait3A_113 : memref<1x128xi32, #tpu.memory_space<vmem>> -> memref<128xi32, #tpu.memory_space<vmem>>
    %dma_wait3A_115 = arith.constant 0 : i32
    %dma_wait3A_116 = tpu.memref_slice %arg3[%dma_wait3A_115] : memref<1000000xf32, #tpu.memory_space<hbm>> -> memref<1000000xf32, #tpu.memory_space<hbm>>
    tpu.wait_indirect_dma semaphore(%arg14 : memref<!tpu.dma_semaphore, #tpu.memory_space<semaphore_mem>>) src(%dma_wait3A_116 : memref<1000000xf32, #tpu.memory_space<hbm>>) dst(%dma_wait3A_111 : memref<128xf32, #tpu.memory_space<vmem>>)
    %scan3A = arith.constant 0 : i32
    %scan3A_117 = arith.constant 0 : i32
    %scan3A_118 = arith.constant 8 : i32
    %scan3A_119 = arith.addi %scan3A_117, %scan3A_118 : i32
    %scan3A_120 = arith.constant 1 : i32
    scf.for %scan3A_200 = %scan3A_117 to %scan3A_119 step %scan3A_120  : i32 {
      %mul3A_201 = arith.constant 16 : i32
      %mul3A_202 = arith.muli %scan3A_200, %mul3A_201 : i32
      %get3A = arith.constant 0 : i32
      %get3A_203 = arith.index_cast %get3A : i32 to index
      %get3A_204 = arith.index_cast %mul3A_202 : i32 to index
      %get3A_205 = tpu.vector_load %arg8[%get3A_203, %get3A_204] {strides = array<i32>} : memref<4x128xf32, #tpu.memory_space<vmem>>, vector<1x16xf32>,
      %get3A_206 = vector.shape_cast %get3A_205 : vector<1x16xf32> to vector<16xf32>
      %get3A_207 = arith.constant 0 : i32
      %get3A_208 = arith.index_cast %get3A_207 : i32 to index
      %get3A_209 = arith.index_cast %mul3A_202 : i32 to index
      %get3A_210 = tpu.vector_load %arg9[%get3A_208, %get3A_209] {strides = array<i32>} : memref<4x128xf32, #tpu.memory_space<vmem>>, vector<1x16xf32>,
      %get3A_211 = vector.shape_cast %get3A_210 : vector<1x16xf32> to vector<16xf32>
      %get3A_212 = arith.constant 0 : i32
      %get3A_213 = arith.index_cast %get3A_212 : i32 to index
      %get3A_214 = arith.index_cast %mul3A_202 : i32 to index
      %get3A_215 = tpu.vector_load %arg10[%get3A_213, %get3A_214] {strides = array<i32>} : memref<4x128xf32, #tpu.memory_space<vmem>>, vector<1x16xf32>,
      %get3A_216 = vector.shape_cast %get3A_215 : vector<1x16xf32> to vector<16xf32>
      %exp3A = math.exp %get3A_211 : vector<16xf32>
      %mul3A_217 = arith.mulf %exp3A, %get3A_216 : vector<16xf32>
      %add3A_218 = arith.addf %get3A_206, %mul3A_217 : vector<16xf32>
      %mul3A_219 = arith.constant 2.30258512 : f32
      %mul3A_220 = vector.broadcast %mul3A_219 : f32 to vector<16xf32>
      %mul3A_221 = arith.mulf %add3A_218, %mul3A_220 : vector<16xf32>
      %exp3A_222 = math.exp %mul3A_221 : vector<16xf32>
      %swap3A = arith.constant 0 : i32
      %swap3A_223 = arith.index_cast %swap3A : i32 to index
      %swap3A_224 = arith.index_cast %mul3A_202 : i32 to index
      %swap3A_225 = tpu.vector_load %arg11[%swap3A_223, %swap3A_224] {strides = array<i32>} : memref<4x128xf32, #tpu.memory_space<vmem>>, vector<1x16xf32>,
      %swap3A_226 = vector.shape_cast %swap3A_225 : vector<1x16xf32> to vector<16xf32>
      %swap3A_227 = vector.shape_cast %exp3A_222 : vector<16xf32> to vector<1x16xf32>
      tpu.vector_store %arg11[%swap3A_223, %swap3A_224], %swap3A_227 {strides = array<i32>} : memref<4x128xf32, #tpu.memory_space<vmem>>, vector<1x16xf32>,
    }
    %scan3A_121 = arith.constant 8 : i32
    %dma_wait3A_122 = arith.constant 1 : i32
    %dma_wait3A_123 = arith.constant 1 : i32
    %dma_wait3A_124 = arith.constant 0 : i32
    %dma_wait3A_125 = tpu.memref_slice %arg8[%dma_wait3A_123, %dma_wait3A_124] : memref<4x128xf32, #tpu.memory_space<vmem>> -> memref<1x128xf32, #tpu.memory_space<vmem>>
    %dma_wait3A_126 = tpu.memref_squeeze %dma_wait3A_125 : memref<1x128xf32, #tpu.memory_space<vmem>> -> memref<128xf32, #tpu.memory_space<vmem>>
    %dma_wait3A_127 = arith.constant 0 : i32
    %dma_wait3A_128 = tpu.memref_slice %arg7[%dma_wait3A_122, %dma_wait3A_127] : memref<4x128xi32, #tpu.memory_space<vmem>> -> memref<1x128xi32, #tpu.memory_space<vmem>>
    %dma_wait3A_129 = tpu.memref_squeeze %dma_wait3A_128 : memref<1x128xi32, #tpu.memory_space<vmem>> -> memref<128xi32, #tpu.memory_space<vmem>>
    %dma_wait3A_130 = arith.constant 0 : i32
    %dma_wait3A_131 = tpu.memref_slice %arg2[%dma_wait3A_130] : memref<1000000xf32, #tpu.memory_space<hbm>> -> memref<1000000xf32, #tpu.memory_space<hbm>>
    tpu.wait_indirect_dma semaphore(%arg15 : memref<!tpu.dma_semaphore, #tpu.memory_space<semaphore_mem>>) src(%dma_wait3A_131 : memref<1000000xf32, #tpu.memory_space<hbm>>) dst(%dma_wait3A_126 : memref<128xf32, #tpu.memory_space<vmem>>)
    %dma_wait3A_132 = arith.constant 1 : i32
    %dma_wait3A_133 = arith.constant 1 : i32
    %dma_wait3A_134 = arith.constant 0 : i32
    %dma_wait3A_135 = tpu.memref_slice %arg9[%dma_wait3A_133, %dma_wait3A_134] : memref<4x128xf32, #tpu.memory_space<vmem>> -> memref<1x128xf32, #tpu.memory_space<vmem>>
    %dma_wait3A_136 = tpu.memref_squeeze %dma_wait3A_135 : memref<1x128xf32, #tpu.memory_space<vmem>> -> memref<128xf32, #tpu.memory_space<vmem>>
    %dma_wait3A_137 = arith.constant 0 : i32
    %dma_wait3A_138 = tpu.memref_slice %arg7[%dma_wait3A_132, %dma_wait3A_137] : memref<4x128xi32, #tpu.memory_space<vmem>> -> memref<1x128xi32, #tpu.memory_space<vmem>>
    %dma_wait3A_139 = tpu.memref_squeeze %dma_wait3A_138 : memref<1x128xi32, #tpu.memory_space<vmem>> -> memref<128xi32, #tpu.memory_space<vmem>>
    %dma_wait3A_140 = arith.constant 0 : i32
    %dma_wait3A_141 = tpu.memref_slice %arg3[%dma_wait3A_140] : memref<1000000xf32, #tpu.memory_space<hbm>> -> memref<1000000xf32, #tpu.memory_space<hbm>>
    tpu.wait_indirect_dma semaphore(%arg15 : memref<!tpu.dma_semaphore, #tpu.memory_space<semaphore_mem>>) src(%dma_wait3A_141 : memref<1000000xf32, #tpu.memory_space<hbm>>) dst(%dma_wait3A_136 : memref<128xf32, #tpu.memory_space<vmem>>)
    %scan3A_142 = arith.constant 0 : i32
    %scan3A_143 = arith.constant 0 : i32
    %scan3A_144 = arith.constant 8 : i32
    %scan3A_145 = arith.addi %scan3A_143, %scan3A_144 : i32
    %scan3A_146 = arith.constant 1 : i32
    scf.for %scan3A_200 = %scan3A_143 to %scan3A_145 step %scan3A_146  : i32 {
      %mul3A_201 = arith.constant 16 : i32
      %mul3A_202 = arith.muli %scan3A_200, %mul3A_201 : i32
      %get3A = arith.constant 1 : i32
      %get3A_203 = arith.index_cast %get3A : i32 to index
      %get3A_204 = arith.index_cast %mul3A_202 : i32 to index
      %get3A_205 = tpu.vector_load %arg8[%get3A_203, %get3A_204] {strides = array<i32>} : memref<4x128xf32, #tpu.memory_space<vmem>>, vector<1x16xf32>,
      %get3A_206 = vector.shape_cast %get3A_205 : vector<1x16xf32> to vector<16xf32>
      %get3A_207 = arith.constant 1 : i32
      %get3A_208 = arith.index_cast %get3A_207 : i32 to index
      %get3A_209 = arith.index_cast %mul3A_202 : i32 to index
      %get3A_210 = tpu.vector_load %arg9[%get3A_208, %get3A_209] {strides = array<i32>} : memref<4x128xf32, #tpu.memory_space<vmem>>, vector<1x16xf32>,
      %get3A_211 = vector.shape_cast %get3A_210 : vector<1x16xf32> to vector<16xf32>
      %get3A_212 = arith.constant 1 : i32
      %get3A_213 = arith.index_cast %get3A_212 : i32 to index
      %get3A_214 = arith.index_cast %mul3A_202 : i32 to index
      %get3A_215 = tpu.vector_load %arg10[%get3A_213, %get3A_214] {strides = array<i32>} : memref<4x128xf32, #tpu.memory_space<vmem>>, vector<1x16xf32>,
      %get3A_216 = vector.shape_cast %get3A_215 : vector<1x16xf32> to vector<16xf32>
      %exp3A = math.exp %get3A_211 : vector<16xf32>
      %mul3A_217 = arith.mulf %exp3A, %get3A_216 : vector<16xf32>
      %add3A_218 = arith.addf %get3A_206, %mul3A_217 : vector<16xf32>
      %mul3A_219 = arith.constant 2.30258512 : f32
      %mul3A_220 = vector.broadcast %mul3A_219 : f32 to vector<16xf32>
      %mul3A_221 = arith.mulf %add3A_218, %mul3A_220 : vector<16xf32>
      %exp3A_222 = math.exp %mul3A_221 : vector<16xf32>
      %swap3A = arith.constant 1 : i32
      %swap3A_223 = arith.index_cast %swap3A : i32 to index
      %swap3A_224 = arith.index_cast %mul3A_202 : i32 to index
      %swap3A_225 = tpu.vector_load %arg11[%swap3A_223, %swap3A_224] {strides = array<i32>} : memref<4x128xf32, #tpu.memory_space<vmem>>, vector<1x16xf32>,
      %swap3A_226 = vector.shape_cast %swap3A_225 : vector<1x16xf32> to vector<16xf32>
      %swap3A_227 = vector.shape_cast %exp3A_222 : vector<16xf32> to vector<1x16xf32>
      tpu.vector_store %arg11[%swap3A_223, %swap3A_224], %swap3A_227 {strides = array<i32>} : memref<4x128xf32, #tpu.memory_space<vmem>>, vector<1x16xf32>,
    }
    %scan3A_147 = arith.constant 8 : i32
    %dma_wait3A_148 = arith.constant 2 : i32
    %dma_wait3A_149 = arith.constant 2 : i32
    %dma_wait3A_150 = arith.constant 0 : i32
    %dma_wait3A_151 = tpu.memref_slice %arg8[%dma_wait3A_149, %dma_wait3A_150] : memref<4x128xf32, #tpu.memory_space<vmem>> -> memref<1x128xf32, #tpu.memory_space<vmem>>
    %dma_wait3A_152 = tpu.memref_squeeze %dma_wait3A_151 : memref<1x128xf32, #tpu.memory_space<vmem>> -> memref<128xf32, #tpu.memory_space<vmem>>
    %dma_wait3A_153 = arith.constant 0 : i32
    %dma_wait3A_154 = tpu.memref_slice %arg7[%dma_wait3A_148, %dma_wait3A_153] : memref<4x128xi32, #tpu.memory_space<vmem>> -> memref<1x128xi32, #tpu.memory_space<vmem>>
    %dma_wait3A_155 = tpu.memref_squeeze %dma_wait3A_154 : memref<1x128xi32, #tpu.memory_space<vmem>> -> memref<128xi32, #tpu.memory_space<vmem>>
    %dma_wait3A_156 = arith.constant 0 : i32
    %dma_wait3A_157 = tpu.memref_slice %arg2[%dma_wait3A_156] : memref<1000000xf32, #tpu.memory_space<hbm>> -> memref<1000000xf32, #tpu.memory_space<hbm>>
    tpu.wait_indirect_dma semaphore(%arg16 : memref<!tpu.dma_semaphore, #tpu.memory_space<semaphore_mem>>) src(%dma_wait3A_157 : memref<1000000xf32, #tpu.memory_space<hbm>>) dst(%dma_wait3A_152 : memref<128xf32, #tpu.memory_space<vmem>>)
    %dma_wait3A_158 = arith.constant 2 : i32
    %dma_wait3A_159 = arith.constant 2 : i32
    %dma_wait3A_160 = arith.constant 0 : i32
    %dma_wait3A_161 = tpu.memref_slice %arg9[%dma_wait3A_159, %dma_wait3A_160] : memref<4x128xf32, #tpu.memory_space<vmem>> -> memref<1x128xf32, #tpu.memory_space<vmem>>
    %dma_wait3A_162 = tpu.memref_squeeze %dma_wait3A_161 : memref<1x128xf32, #tpu.memory_space<vmem>> -> memref<128xf32, #tpu.memory_space<vmem>>
    %dma_wait3A_163 = arith.constant 0 : i32
    %dma_wait3A_164 = tpu.memref_slice %arg7[%dma_wait3A_158, %dma_wait3A_163] : memref<4x128xi32, #tpu.memory_space<vmem>> -> memref<1x128xi32, #tpu.memory_space<vmem>>
    %dma_wait3A_165 = tpu.memref_squeeze %dma_wait3A_164 : memref<1x128xi32, #tpu.memory_space<vmem>> -> memref<128xi32, #tpu.memory_space<vmem>>
    %dma_wait3A_166 = arith.constant 0 : i32
    %dma_wait3A_167 = tpu.memref_slice %arg3[%dma_wait3A_166] : memref<1000000xf32, #tpu.memory_space<hbm>> -> memref<1000000xf32, #tpu.memory_space<hbm>>
    tpu.wait_indirect_dma semaphore(%arg16 : memref<!tpu.dma_semaphore, #tpu.memory_space<semaphore_mem>>) src(%dma_wait3A_167 : memref<1000000xf32, #tpu.memory_space<hbm>>) dst(%dma_wait3A_162 : memref<128xf32, #tpu.memory_space<vmem>>)
    %scan3A_168 = arith.constant 0 : i32
    %scan3A_169 = arith.constant 0 : i32
    %scan3A_170 = arith.constant 8 : i32
    %scan3A_171 = arith.addi %scan3A_169, %scan3A_170 : i32
    %scan3A_172 = arith.constant 1 : i32
    scf.for %scan3A_200 = %scan3A_169 to %scan3A_171 step %scan3A_172  : i32 {
      %mul3A_201 = arith.constant 16 : i32
      %mul3A_202 = arith.muli %scan3A_200, %mul3A_201 : i32
      %get3A = arith.constant 2 : i32
      %get3A_203 = arith.index_cast %get3A : i32 to index
      %get3A_204 = arith.index_cast %mul3A_202 : i32 to index
      %get3A_205 = tpu.vector_load %arg8[%get3A_203, %get3A_204] {strides = array<i32>} : memref<4x128xf32, #tpu.memory_space<vmem>>, vector<1x16xf32>,
      %get3A_206 = vector.shape_cast %get3A_205 : vector<1x16xf32> to vector<16xf32>
      %get3A_207 = arith.constant 2 : i32
      %get3A_208 = arith.index_cast %get3A_207 : i32 to index
      %get3A_209 = arith.index_cast %mul3A_202 : i32 to index
      %get3A_210 = tpu.vector_load %arg9[%get3A_208, %get3A_209] {strides = array<i32>} : memref<4x128xf32, #tpu.memory_space<vmem>>, vector<1x16xf32>,
      %get3A_211 = vector.shape_cast %get3A_210 : vector<1x16xf32> to vector<16xf32>
      %get3A_212 = arith.constant 2 : i32
      %get3A_213 = arith.index_cast %get3A_212 : i32 to index
      %get3A_214 = arith.index_cast %mul3A_202 : i32 to index
      %get3A_215 = tpu.vector_load %arg10[%get3A_213, %get3A_214] {strides = array<i32>} : memref<4x128xf32, #tpu.memory_space<vmem>>, vector<1x16xf32>,
      %get3A_216 = vector.shape_cast %get3A_215 : vector<1x16xf32> to vector<16xf32>
      %exp3A = math.exp %get3A_211 : vector<16xf32>
      %mul3A_217 = arith.mulf %exp3A, %get3A_216 : vector<16xf32>
      %add3A_218 = arith.addf %get3A_206, %mul3A_217 : vector<16xf32>
      %mul3A_219 = arith.constant 2.30258512 : f32
      %mul3A_220 = vector.broadcast %mul3A_219 : f32 to vector<16xf32>
      %mul3A_221 = arith.mulf %add3A_218, %mul3A_220 : vector<16xf32>
      %exp3A_222 = math.exp %mul3A_221 : vector<16xf32>
      %swap3A = arith.constant 2 : i32
      %swap3A_223 = arith.index_cast %swap3A : i32 to index
      %swap3A_224 = arith.index_cast %mul3A_202 : i32 to index
      %swap3A_225 = tpu.vector_load %arg11[%swap3A_223, %swap3A_224] {strides = array<i32>} : memref<4x128xf32, #tpu.memory_space<vmem>>, vector<1x16xf32>,
      %swap3A_226 = vector.shape_cast %swap3A_225 : vector<1x16xf32> to vector<16xf32>
      %swap3A_227 = vector.shape_cast %exp3A_222 : vector<16xf32> to vector<1x16xf32>
      tpu.vector_store %arg11[%swap3A_223, %swap3A_224], %swap3A_227 {strides = array<i32>} : memref<4x128xf32, #tpu.memory_space<vmem>>, vector<1x16xf32>,
    }
    %scan3A_173 = arith.constant 8 : i32
    %dma_wait3A_174 = arith.constant 3 : i32
    %dma_wait3A_175 = arith.constant 3 : i32
    %dma_wait3A_176 = arith.constant 0 : i32
    %dma_wait3A_177 = tpu.memref_slice %arg8[%dma_wait3A_175, %dma_wait3A_176] : memref<4x128xf32, #tpu.memory_space<vmem>> -> memref<1x128xf32, #tpu.memory_space<vmem>>
    %dma_wait3A_178 = tpu.memref_squeeze %dma_wait3A_177 : memref<1x128xf32, #tpu.memory_space<vmem>> -> memref<128xf32, #tpu.memory_space<vmem>>
    %dma_wait3A_179 = arith.constant 0 : i32
    %dma_wait3A_180 = tpu.memref_slice %arg7[%dma_wait3A_174, %dma_wait3A_179] : memref<4x128xi32, #tpu.memory_space<vmem>> -> memref<1x128xi32, #tpu.memory_space<vmem>>
    %dma_wait3A_181 = tpu.memref_squeeze %dma_wait3A_180 : memref<1x128xi32, #tpu.memory_space<vmem>> -> memref<128xi32, #tpu.memory_space<vmem>>
    %dma_wait3A_182 = arith.constant 0 : i32
    %dma_wait3A_183 = tpu.memref_slice %arg2[%dma_wait3A_182] : memref<1000000xf32, #tpu.memory_space<hbm>> -> memref<1000000xf32, #tpu.memory_space<hbm>>
    tpu.wait_indirect_dma semaphore(%arg17 : memref<!tpu.dma_semaphore, #tpu.memory_space<semaphore_mem>>) src(%dma_wait3A_183 : memref<1000000xf32, #tpu.memory_space<hbm>>) dst(%dma_wait3A_178 : memref<128xf32, #tpu.memory_space<vmem>>)
    %dma_wait3A_184 = arith.constant 3 : i32
    %dma_wait3A_185 = arith.constant 3 : i32
    %dma_wait3A_186 = arith.constant 0 : i32
    %dma_wait3A_187 = tpu.memref_slice %arg9[%dma_wait3A_185, %dma_wait3A_186] : memref<4x128xf32, #tpu.memory_space<vmem>> -> memref<1x128xf32, #tpu.memory_space<vmem>>
    %dma_wait3A_188 = tpu.memref_squeeze %dma_wait3A_187 : memref<1x128xf32, #tpu.memory_space<vmem>> -> memref<128xf32, #tpu.memory_space<vmem>>
    %dma_wait3A_189 = arith.constant 0 : i32
    %dma_wait3A_190 = tpu.memref_slice %arg7[%dma_wait3A_184, %dma_wait3A_189] : memref<4x128xi32, #tpu.memory_space<vmem>> -> memref<1x128xi32, #tpu.memory_space<vmem>>
    %dma_wait3A_191 = tpu.memref_squeeze %dma_wait3A_190 : memref<1x128xi32, #tpu.memory_space<vmem>> -> memref<128xi32, #tpu.memory_space<vmem>>
    %dma_wait3A_192 = arith.constant 0 : i32
    %dma_wait3A_193 = tpu.memref_slice %arg3[%dma_wait3A_192] : memref<1000000xf32, #tpu.memory_space<hbm>> -> memref<1000000xf32, #tpu.memory_space<hbm>>
    tpu.wait_indirect_dma semaphore(%arg17 : memref<!tpu.dma_semaphore, #tpu.memory_space<semaphore_mem>>) src(%dma_wait3A_193 : memref<1000000xf32, #tpu.memory_space<hbm>>) dst(%dma_wait3A_188 : memref<128xf32, #tpu.memory_space<vmem>>)
    %scan3A_194 = arith.constant 0 : i32
    %scan3A_195 = arith.constant 0 : i32
    %scan3A_196 = arith.constant 8 : i32
    %scan3A_197 = arith.addi %scan3A_195, %scan3A_196 : i32
    %scan3A_198 = arith.constant 1 : i32
    scf.for %scan3A_200 = %scan3A_195 to %scan3A_197 step %scan3A_198  : i32 {
      %mul3A_201 = arith.constant 16 : i32
      %mul3A_202 = arith.muli %scan3A_200, %mul3A_201 : i32
      %get3A = arith.constant 3 : i32
      %get3A_203 = arith.index_cast %get3A : i32 to index
      %get3A_204 = arith.index_cast %mul3A_202 : i32 to index
      %get3A_205 = tpu.vector_load %arg8[%get3A_203, %get3A_204] {strides = array<i32>} : memref<4x128xf32, #tpu.memory_space<vmem>>, vector<1x16xf32>,
      %get3A_206 = vector.shape_cast %get3A_205 : vector<1x16xf32> to vector<16xf32>
      %get3A_207 = arith.constant 3 : i32
      %get3A_208 = arith.index_cast %get3A_207 : i32 to index
      %get3A_209 = arith.index_cast %mul3A_202 : i32 to index
      %get3A_210 = tpu.vector_load %arg9[%get3A_208, %get3A_209] {strides = array<i32>} : memref<4x128xf32, #tpu.memory_space<vmem>>, vector<1x16xf32>,
      %get3A_211 = vector.shape_cast %get3A_210 : vector<1x16xf32> to vector<16xf32>
      %get3A_212 = arith.constant 3 : i32
      %get3A_213 = arith.index_cast %get3A_212 : i32 to index
      %get3A_214 = arith.index_cast %mul3A_202 : i32 to index
      %get3A_215 = tpu.vector_load %arg10[%get3A_213, %get3A_214] {strides = array<i32>} : memref<4x128xf32, #tpu.memory_space<vmem>>, vector<1x16xf32>,
      %get3A_216 = vector.shape_cast %get3A_215 : vector<1x16xf32> to vector<16xf32>
      %exp3A = math.exp %get3A_211 : vector<16xf32>
      %mul3A_217 = arith.mulf %exp3A, %get3A_216 : vector<16xf32>
      %add3A_218 = arith.addf %get3A_206, %mul3A_217 : vector<16xf32>
      %mul3A_219 = arith.constant 2.30258512 : f32
      %mul3A_220 = vector.broadcast %mul3A_219 : f32 to vector<16xf32>
      %mul3A_221 = arith.mulf %add3A_218, %mul3A_220 : vector<16xf32>
      %exp3A_222 = math.exp %mul3A_221 : vector<16xf32>
      %swap3A = arith.constant 3 : i32
      %swap3A_223 = arith.index_cast %swap3A : i32 to index
      %swap3A_224 = arith.index_cast %mul3A_202 : i32 to index
      %swap3A_225 = tpu.vector_load %arg11[%swap3A_223, %swap3A_224] {strides = array<i32>} : memref<4x128xf32, #tpu.memory_space<vmem>>, vector<1x16xf32>,
      %swap3A_226 = vector.shape_cast %swap3A_225 : vector<1x16xf32> to vector<16xf32>
      %swap3A_227 = vector.shape_cast %exp3A_222 : vector<16xf32> to vector<1x16xf32>
      tpu.vector_store %arg11[%swap3A_223, %swap3A_224], %swap3A_227 {strides = array<i32>} : memref<4x128xf32, #tpu.memory_space<vmem>>, vector<1x16xf32>,
    }
    %scan3A_199 = arith.constant 8 : i32
    "tpu.region"() ({
      %run_scoped3A = tpu.sem_alloc : memref<!tpu.dma_semaphore, #tpu.memory_space<semaphore_mem>>
      %dma_start3A_200 = arith.constant 0 : i32
      %dma_start3A_201 = tpu.memref_slice %arg6[%mul3A_2, %dma_start3A_200] : memref<128x128xf32, #tpu.memory_space<hbm>> -> memref<4x128xf32, #tpu.memory_space<hbm>>
      %dma_start3A_202 = arith.constant 0 : i32
      %dma_start3A_203 = tpu.memref_slice %arg6[%mul3A_2, %dma_start3A_202] : memref<128x128xf32, #tpu.memory_space<hbm>> -> memref<4x128xf32, #tpu.memory_space<hbm>>
      tpu.enqueue_dma source(%arg11 : memref<4x128xf32, #tpu.memory_space<vmem>>) target(%dma_start3A_203 : memref<4x128xf32, #tpu.memory_space<hbm>>) target_semaphore(%run_scoped3A : memref<!tpu.dma_semaphore, #tpu.memory_space<semaphore_mem>>)
      %dma_wait3A_204 = arith.constant 0 : i32
      %dma_wait3A_205 = tpu.memref_slice %arg6[%mul3A_2, %dma_wait3A_204] : memref<128x128xf32, #tpu.memory_space<hbm>> -> memref<4x128xf32, #tpu.memory_space<hbm>>
      %dma_wait3A_206 = arith.constant 0 : i32
      %dma_wait3A_207 = tpu.memref_slice %arg6[%mul3A_2, %dma_wait3A_206] : memref<128x128xf32, #tpu.memory_space<hbm>> -> memref<4x128xf32, #tpu.memory_space<hbm>>
      tpu.wait_dma2 semaphore(%run_scoped3A : memref<!tpu.dma_semaphore, #tpu.memory_space<semaphore_mem>>) src(%arg11 : memref<4x128xf32, #tpu.memory_space<vmem>>) dst(%dma_wait3A_207 : memref<4x128xf32, #tpu.memory_space<hbm>>)
      tpu.yield
    }) : () -> ()
    return
  }
}

</mosaic_0001>

<sc_bundles>
// kernel: _run.3.cloned.1.call-start
scs
__scs_entry_jumppad:
0x0: {  	(pc) =	sbr.rel $0x88, $3  }
0x1: {  	(tag) =	ssettag $0x0;
	lr =	simm.s32 $0x1  }
0x2: {  	[smem:$0x3F9D] =	sst lr;
	_ =	strace $0xD0000000  }
0x3: {  	_ = 	snop  }
0x4: {  	_ = 	snop  }
0x5: {  	_ = 	snop  }
0x6: {  	_ = 	snop  }
0x7: {  	_ = 	snop  }
__scs_overlays_trampoline_lowered:
0x8: {  	[smem:$0x3FAC] =	sst s0  }
0x9: {  	[smem:$0x3FAD] =	sst s1  }
0xa: {  	[smem:$0x3FAE] =	sst s2  }
0xb: {  	[smem:$0x3FAF] =	sst s3  }
0xc: {  	[smem:$0x3FB0] =	sst s4  }
0xd: {  	[smem:$0x3FB1] =	sst s5  }
0xe: {  	[smem:$0x3FB2] =	sst s6  }
0xf: {  	[smem:$0x3FB3] =	sst s7  }
0x10: {  	[smem:$0x3FB4] =	sst s8  }
0x11: {  	[smem:$0x3FB5] =	sst s9;
	s0 =	simm.s32 @!p0 $0x0  }
0x12: {  	s1 =	sld [smem:$0x3F9B];
	s0 =	simm.s32 @p0 $0x1  }
0x13: {  	[smem:$0x3FB6] =	sst s0;
	s0 =	simm.s32 @!p1 $0x0  }
0x14: {  	s2 =	sld [smem:$0x3F9A];
	s0 =	simm.s32 @p1 $0x1  }
0x15: {  	[smem:$0x3FB7] =	sst s0;
	s0 =	simm.s32 @!p2 $0x0  }
0x16: {  	s3 =	sld [smem:$0x3FDB];
	s0 =	simm.s32 @p2 $0x1  }
0x17: {  	s4 =	simm.s32 $0x1BF5;
	[smem:$0x3FB9] =	sst s0  }
0x18: {  	s0 =	sld [smem:$0x3F9C];
	_ =	swait.ge [sflag:s4], $0x0  }
0x19: {  	s7 =	sld [smem:$0x3F9D]  }
0x1a: {  	s8 =	sadd.s32 $0xFFFFE003, lr  }
0x1b: {  	s9 =	sadd.s32 $0xFFFFFEF7, lr;
	s5 =	simm.s32 $0xFFFFFFFF;
	p2 =	slt.u32 s8, $0xFFFFF086  }
0x1c: {  	p1 =	slt.u32 s9, $0xF7A;
	s5 =	simm.s32 @!p2 $0x0  }
0x1d: {  	s5 =	simm.s32 @p1 $0x1;
	p0 =	seq.s32 s7, s2  }
0x1e: {  	s7 =	smul.u32 @!p0 $0xF7A, s2;
	p2 =	seq.s32 @!p0 s5, $0x0  }
0x1f: {  	s9 =	smul.u32 $0xF7A, s1;
	s8 =	simm.s32 @!p0 $0x1BF5;
	p2 =	por !p2, p0  }
0x20: {  	[sflag:s8] =	ssyncset.s32 @!p0 $0xFFFFF086;
	s6 =	sadd.s32 @!p0 s3, s7;
	s7 =	simm.s32 @!p0 $0x108  }
0x21: {  	s3 =	sadd.s32 s3, s9;
	s6 =	sadd.s32 @!p0 $0x88, s6;
	s7 =	simm.s32 @p2 $0x1082  }
0x22: {  	[simem:s7], [sflag:s8] =	dma.local @!p0 [hbm:s6], $0xF7A  }
0x23: {  	s9 =	sor.u32 $0xD0000000, s2;
	s6 =	simm.s32 $0x108;
	_ =	swait.ge @!p0 [sflag:s8], $0x0  }
0x24: {  	s3 =	sadd.s32 $0x88, s3;
	s6 =	simm.s32 @!p1 $0x1082;
	[sflag:s4] =	ssyncset.s32 $0xFFFFF086  }
0x25: {  	[simem:s6], [sflag:s4] =	dma.local [hbm:s3], $0xF7A  }
0x26: {  	[smem:$0x3F9D] =	sst s1;
	(tag) =	ssettag s2;
	_ =	strace s9  }
0x27: {  	s1 =	sld [smem:$0x3FAD]  }
0x28: {  	s2 =	sld [smem:$0x3FAE]  }
0x29: {  	s4 =	sld [smem:$0x3FB0]  }
0x2a: {  	p0 =	seq.s32 s5, $0x0;
	s5 =	sld [smem:$0x3FB1]  }
0x2b: {  	s6 =	sld [smem:$0x3FB2]  }
0x2c: {  	s7 =	sld [smem:$0x3FB3]  }
0x2d: {  	s3 =	simm.s32 $0x108;
	s8 =	sld [smem:$0x3FB4]  }
0x2e: {  	s3 =	simm.s32 @!p0 $0x1082;
	s9 =	sld [smem:$0x3FB5]  }
0x2f: {  	lr =	sadd.s32 s0, s3;
	s0 =	sld [smem:$0x3FAC]  }
0x30: {  	s3 =	sld [smem:$0x3FAF]  }
0x31: {  	[smem:$0x3FB8] =	sst s10  }
0x32: {  	s10 =	sld [smem:$0x3FB6];
	_ =	sdelay $0x3  }
0x33: {  	p0 =	seq.s32 s10, $0x1;
	s10 =	sld [smem:$0x3FB8];
	_ =	sdelay $0x3  }
0x34: {  	[smem:$0x3FB8] =	sst s10  }
0x35: {  	s10 =	sld [smem:$0x3FB7];
	_ =	sdelay $0x3  }
0x36: {  	p1 =	seq.s32 s10, $0x1;
	s10 =	sld [smem:$0x3FB8];
	_ =	sdelay $0x3  }
0x37: {  	[smem:$0x3FB8] =	sst s10  }
0x38: {  	s10 =	sld [smem:$0x3FB9]  }
0x39: {  	_ = 	snop;
	(pc) =	sbr.ind lr, $3  }
0x3a: {  	_ = 	snop  }
0x3b: {  	_ = 	snop  }
0x3c: {  	p2 =	seq.s32 s10, $0x1;
	s10 =	sld [smem:$0x3FB8]  }
0x3d: {  	_ =	shalt  }
0x3e: {  	_ =	shalt  }
0x3f: {  	_ =	shalt  }
0x40: {  	_ =	shalt  }
0x41: {  	_ =	shalt  }
0x42: {  	_ =	shalt  }
0x43: {  	_ =	shalt  }
0x44: {  	_ =	shalt  }
0x45: {  	_ =	shalt  }
0x46: {  	_ =	shalt  }
0x47: {  	_ =	shalt  }
0x48: {  	_ =	shalt  }
0x49: {  	_ =	shalt  }
0x4a: {  	_ =	shalt  }
0x4b: {  	_ =	shalt  }
0x4c: {  	_ =	shalt  }
0x4d: {  	_ =	shalt  }
0x4e: {  	_ =	shalt  }
0x4f: {  	_ =	shalt  }
0x50: {  	_ =	shalt  }
0x51: {  	_ =	shalt  }
0x52: {  	_ =	shalt  }
0x53: {  	_ =	shalt  }
0x54: {  	_ =	shalt  }
0x55: {  	_ =	shalt  }
0x56: {  	_ =	shalt  }
0x57: {  	_ =	shalt  }
0x58: {  	_ =	shalt  }
0x59: {  	_ =	shalt  }
0x5a: {  	_ =	shalt  }
0x5b: {  	_ =	shalt  }
0x5c: {  	_ =	shalt  }
0x5d: {  	_ =	shalt  }
0x5e: {  	_ =	shalt  }
0x5f: {  	_ =	shalt  }
0x60: {  	_ =	shalt  }
0x61: {  	_ =	shalt  }
0x62: {  	_ =	shalt  }
0x63: {  	_ =	shalt  }
0x64: {  	_ =	shalt  }
0x65: {  	_ =	shalt  }
0x66: {  	_ =	shalt  }
0x67: {  	_ =	shalt  }
0x68: {  	_ =	shalt  }
0x69: {  	_ =	shalt  }
0x6a: {  	_ =	shalt  }
0x6b: {  	_ =	shalt  }
0x6c: {  	_ =	shalt  }
0x6d: {  	_ =	shalt  }
0x6e: {  	_ =	shalt  }
0x6f: {  	_ =	shalt  }
0x70: {  	_ =	shalt  }
0x71: {  	_ =	shalt  }
0x72: {  	_ =	shalt  }
0x73: {  	_ =	shalt  }
0x74: {  	_ =	shalt  }
0x75: {  	_ =	shalt  }
0x76: {  	_ =	shalt  }
0x77: {  	_ =	shalt  }
0x78: {  	_ =	shalt  }
0x79: {  	_ =	shalt  }
0x7a: {  	_ =	shalt  }
0x7b: {  	_ =	shalt  }
0x7c: {  	_ =	shalt  }
0x7d: {  	_ =	shalt  }
0x7e: {  	_ =	shalt  }
0x7f: {  	_ =	shalt  }
0x80: {  	_ =	shalt  }
0x81: {  	_ =	shalt  }
0x82: {  	_ =	shalt  }
0x83: {  	_ =	shalt  }
0x84: {  	_ =	shalt  }
0x85: {  	_ =	shalt  }
0x86: {  	_ =	shalt  }
0x87: {  	_ =	shalt  }
.Lfunc_end0:
.L_simem_size_0:
called_computation_lowered:
.L_overlay_start_0:
0x88: {  	s2 =	sld [smem:$0x3FD9]  }
0x89: {  	s3 =	sld [smem:$0x3FFE];
	_ =	sdelay $0x1  }
0x8a: {  	s1 =	srdreg.scid  }
0x8b: {  	s0 =	sand.u32 $0x1, s1  }
0x8c: {  	s18 =	sshll.u32 s0, $0xA;
	s2 =	sadd.s32 s3, s2  }
0x8d: {  	s2 =	sadd.s32 s2, s18  }
0x8e: {  	[smem:$0x3FC4] =	sst s2  }
0x8f: {  	_ = 	snop  }
0x90: {  	s2 =	sld [smem:$0x3FC9]  }
0x91: {  	s19 =	sld [smem:$0x3FC8]  }
0x92: {  	s4 =	sld [smem:$0x3FC7]  }
0x93: {  	s5 =	sld [smem:$0x3FC6]  }
0x94: {  	s6 =	sld [smem:$0x3FD0];
	(tm) =	ssettm $0x1  }
0x95: {  	s7 =	sld [smem:$0x3FFB];
	_ =	sdelay $0x3  }
0x96: {  	_ =	strace s7  }
0x97: {  	s7 =	sld [smem:$0x3FFC];
	_ =	sdelay $0x3  }
0x98: {  	_ =	strace s7  }
0x99: {  	s7 =	sld [smem:$0x3FFD];
	_ =	sdelay $0x3  }
0x9a: {  	_ =	strace s7  }
0x9b: {  	_ =	strace $0x8FFFFFFF  }
0x9c: {  	s20 =	sld [smem:$0x3FDB];
	_ =	sdelay $0x1  }
0x9d: {  	s8 =	simm.s32 $_scs_section_size  }
0x9e: {  	s9 =	simm.s32 $_size__tile_overlayer_lowered;
	s10 =	simm.s32 $_tile_overlayer_lowered  }
0x9f: {  	s23 =	simm.s32 $0x1BFF;
	s22 =	sshll.u32 s10, $0x1;
	s7 =	sadd.s32 s8, s20  }
0xa0: {  	s11 =	simm.s32 $0x0;
	s21 =	sshll.u32 s9, $0x1;
	s9 =	sadd.s32 s22, s7  }
0xa1: {  	[timem:s11], [sflag:s23] =	dma.local [hbm:s9], s21  }
0xa2: {  	_ =	swait.ge [sflag:s23], s21  }
0xa3: {  	s8 =	ssub.s32 $0x0, s21;
	[sflag:s23] =	ssyncset.done $0x0  }
0xa4: {  	[sflag:s23] =	ssyncadd.s32 s8;
	_ =	sdelay $0x1  }
0xa5: {  	s24 =	simm.s32 $0x1B8B  }
0xa6: {  	_ =	swait.ge [sflag:s24], $0x1  }
0xa7: {  	[sflag:s24] =	ssyncset.done $0x0  }
0xa8: {  	s25 =	simm.s32 $0x1B8E;
	[sflag:s24] =	ssyncadd.s32 $0xFFFFFFFF  }
0xa9: {  	s26 =	simm.s32 $execute0_lowered;
	[smem:$0x3FD2] =	sst s25  }
0xaa: {  	s8 =	sshll.u32 s26, $0x1;
	_ =	strace $0x80000046;
	[dreg:$0x1] =	wrdreg $0xFFFFFFFF  }
0xab: {  	s28 =	simm.s32 $_size_execute0_lowered;
	s7 =	sadd.s32 s7, s8;
	[dreg:$0x0] =	wrdreg $0x0  }
0xac: {  	s8 =	sshll.u32 s28, $0x1;
	[dreg:$0x2] =	wrdreg s7  }
0xad: {  	[dreg:$0x3] =	wrdreg s8  }
0xae: {  	[dreg:$0x4] =	wrdreg $0xC0  }
0xaf: {  	_ =	task [dreg:s11], $0x5FFFF  }
0xb0: {  	[dreg:$0x1] =	wrdreg $0xFFFFFFFF  }
0xb1: {  	[dreg:$0x0] =	wrdreg $0x60  }
0xb2: {  	[dreg:$0x2] =	wrdreg s2  }
0xb3: {  	[dreg:$0x3] =	wrdreg s19  }
0xb4: {  	[dreg:$0x4] =	wrdreg s4  }
0xb5: {  	[dreg:$0x5] =	wrdreg s5  }
0xb6: {  	[dreg:$0x6] =	wrdreg s6  }
0xb7: {  	[dreg:$0x7] =	wrdreg $0x9  }
0xb8: {  	_ =	task.clear_ibuf [dreg:s11], $0x8FFFF;
	_ =	strace $0x90000046  }
0xb9: {  	s29 =	simm.s32 $0x9;
	_ =	strace $0x80000048  }
0xba: {  	_ =	swait.ge [sflag:s29], $0x1  }
0xbb: {  	[sflag:s29] =	ssyncadd.s32 $0xFFFFFFFF  }
0xbc: {  	_ =	strace $0x90000048  }
0xbd: {  	_ =	sfence  }
0xbe: {  	s30 =	sld [smem:$0x0];
	_ =	sdelay $0x2  }
0xbf: {  	s31 =	sshll.u32 s1, $0xD;
	s1 =	sshrl.u32 s1, $0x2  }
0xc0: {  	s3 =	sand.u32 $0x4000, s31;
	s1 =	sadd.s32 s1, s30  }
0xc1: {  	s0 =	sor.u32 s3, s0;
	s1 =	sshll.u32 s1, $0x11  }
0xc2: {  	s0 =	sor.u32 s1, s0  }
0xc3: {  	s0 =	sadd.s32 $0x8F2B, s0  }
0xc4: {  	[sflag:s0] =	ssyncadd.remote.s32 $0x1  }
0xc5: {  	_ =	sfence.sel $0xFFFF  }
0xc6: {  	[dreg:$0x0] =	wrdreg $0xFFFFFFFF;
	(pc) =	sbr.abs _section_cstart, $3  }
0xc7: {  	[dreg:$0x1] =	wrdreg $0xFFFFFFFF  }
0xc8: {  	_ =	task.clear_ibuf [dreg:s11], $0x2FFFF;
	_ =	strace $0x9FFFFFFF  }
0xc9: {  	(tm) =	ssettm $0x7FFFFFFF  }
tec
execute0_lowered:
.L_overlay_start_1:
0x0: {  	(tag) =	ssettag $0x1  }
0x1: {  	s1 =	rddreg [dreg:$0x0]  }
0x2: {  	s2 =	rddreg [dreg:$0x1]  }
0x3: {  	s6 =	rddreg [dreg:$0x2]  }
0x4: {  	s5 =	rddreg [dreg:$0x3]  }
0x5: {  	s7 =	rddreg [dreg:$0x4];
	s3 =	srdreg.scid  }
0x6: {  	s0 =	rddreg [dreg:$0x5];
	s4 =	simm.s32 $0x0;
	s12 =	simm.s32 $0x200  }
0x7: {  	s13 =	simm.s32 $0x400;
	s14 =	simm.s32 $0x280;
	s15 =	simm.s32 $0x480  }
0x8: {  	s16 =	simm.s32 $0x100;
	s17 =	simm.s32 $0x300;
	s18 =	simm.s32 $0x500  }
0x9: {  	s19 =	simm.s32 $0x180;
	s20 =	simm.s32 $0x380;
	s21 =	simm.s32 $0x580  }
0xa: {  	s22 =	simm.s32 $0x2;
	s23 =	simm.s32 $0x3;
	s24 =	simm.s32 $0x4  }
0xb: {  	s25 =	simm.s32 $0x5;
	s26 =	simm.s32 $0x6;
	s28 =	simm.s32 $0x800  }
0xc: {  	s29 =	simm.s32 $0x7;
	s8 =	sand.u32 $0x1, s3;
	s3 =	stileid.u32  }
0xd: {  	[smem:$0x7FF] =	sst s4;
	s9 =	ssub.s32 $0x2, s8;
	s11 =	sshll.u32 s3, $0x7  }
0xe: {  	s8 =	sshll.u32 s8, $0x6;
	_ =	strace $0x80000047;
	s10 =	sshrl.u32 s9, $0x1  }
0xf: {  	s8 =	sor.u32 s8, s11;
	s11 =	simm.s32 $0x80;
	s9 =	ssub.s32 s9, s10  }
0x10: {  	s5 =	sadd.s32 s5, s8;
	s6 =	sadd.s32 s6, s8;
	s7 =	sadd.s32 s7, s8  }
0x11: {  	s10 =	simm.s32 $0x1;
	s8 =	smax.u32 s9, $0x1;
	s9 =	simm.s32 $0x600  }
.LBB2_1:
0x12: {  	[tilespmem:s4], [sflag:$0x1] =	stream.linear.gather [hbm4b:s5+s4], $0x200, $0x38;
	[tilespmem:$0xA00] =	vst v63  }
0x13: {  	_ = 	snop  }
0x14: {  	[tilespmem:s9], [sflag:$0x2] =	stream.linear.gather [hbm4b:s6+s4], $0x200, $0x38;
	[tilespmem:$0xA00] =	vst v63  }
0x15: {  	_ =	swait.ge [sflag:s10], $0x200  }
0x16: {  	[sflag:s10] =	ssyncset.done $0x0  }
0x17: {  	[sflag:s10] =	ssyncadd.s32 $0xFFFFFE00  }
0x18: {  	[tilespmem:s12], [sflag:$0x3] =	stream.indirect.gather [hbm4b:s1+s11], $0x1, s4, s11, $0xb8;
	[tilespmem:$0xA00] =	vst v63  }
0x19: {  	_ = 	snop  }
0x1a: {  	[tilespmem:s13], [sflag:$0x3] =	stream.indirect.gather [hbm4b:s2+s11], $0x1, s4, s11, $0xb8;
	[tilespmem:$0xA00] =	vst v63  }
0x1b: {  	_ = 	snop  }
0x1c: {  	[tilespmem:s14], [sflag:$0x4] =	stream.indirect.gather [hbm4b:s1+s11], $0x1, s11, s11, $0xb8;
	[tilespmem:$0xA00] =	vst v63  }
0x1d: {  	_ = 	snop  }
0x1e: {  	[tilespmem:s15], [sflag:$0x4] =	stream.indirect.gather [hbm4b:s2+s11], $0x1, s11, s11, $0xb8;
	[tilespmem:$0xA00] =	vst v63  }
0x1f: {  	_ = 	snop  }
0x20: {  	[tilespmem:s17], [sflag:$0x5] =	stream.indirect.gather [hbm4b:s1+s11], $0x1, s16, s11, $0xb8;
	[tilespmem:$0xA00] =	vst v63  }
0x21: {  	_ = 	snop  }
0x22: {  	[tilespmem:s18], [sflag:$0x5] =	stream.indirect.gather [hbm4b:s2+s11], $0x1, s16, s11, $0xb8;
	[tilespmem:$0xA00] =	vst v63  }
0x23: {  	_ = 	snop  }
0x24: {  	[tilespmem:s20], [sflag:$0x6] =	stream.indirect.gather [hbm4b:s1+s11], $0x1, s19, s11, $0xb8;
	[tilespmem:$0xA00] =	vst v63  }
0x25: {  	_ = 	snop  }
0x26: {  	[tilespmem:s21], [sflag:$0x6] =	stream.indirect.gather [hbm4b:s2+s11], $0x1, s19, s11, $0xb8;
	[tilespmem:$0xA00] =	vst v63  }
0x27: {  	_ =	swait.ge [sflag:s22], $0x200  }
0x28: {  	[sflag:s22] =	ssyncset.done $0x0  }
0x29: {  	[sflag:s22] =	ssyncadd.s32 $0xFFFFFE00  }
0x2a: {  	_ =	swait.ge [sflag:s23], $0x80  }
0x2b: {  	[sflag:s23] =	ssyncset.done $0x0  }
0x2c: {  	[sflag:s23] =	ssyncadd.s32 $0xFFFFFF80  }
0x2d: {  	_ =	swait.ge [sflag:s23], $0x80  }
0x2e: {  	[sflag:s23] =	ssyncset.done $0x0  }
0x2f: {  	[sflag:s23] =	ssyncadd.s32 $0xFFFFFF80  }
0x30: {  	v0 =	vld [tilespmem:$0x400];
	_ =	sdelay $0x4  }
0x31: {  	v0 =	vmul.f32 $1.442695020e+00, v0;
	_ =	sdelay $0x1  }
0x32: {  	(erf) = vpow2.f32 v0;
	_ =	sdelay $0x4  }
0x33: {  	v27 =	vld [tilespmem:$0x600];
	_ =	sdelay $0x1  }
0x34: {  	v1 =	vld [tilespmem:$0x200];
	_ =	sdelay $0x1  }
0x35: {  	v2 =	vpop (erf)  }
0x36: {  	v0 =	vmul.f32 v2, v27;
	_ =	sdelay $0x1  }
0x37: {  	v28 =	vld [tilespmem:$0x410];
	v0 =	vadd.f32 v0, v1;
	_ =	sdelay $0x1  }
0x38: {  	v0 =	vmul.f32 $2.302585120e+00, v0;
	_ =	sdelay $0x1  }
0x39: {  	v0 =	vmul.f32 $1.442695020e+00, v0  }
0x3a: {  	v1 =	vmul.f32 $1.442695020e+00, v28  }
0x3b: {  	(erf) = vpow2.f32 v0  }
0x3c: {  	(erf) = vpow2.f32 v1;
	_ =	sdelay $0x4  }
0x3d: {  	v29 =	vld [tilespmem:$0x610];
	_ =	sdelay $0x1  }
0x3e: {  	v30 =	vld [tilespmem:$0x210]  }
0x3f: {  	v31 =	vpop (erf)  }
0x40: {  	v3 =	vpop (erf)  }
0x41: {  	v0 =	vmul.f32 v3, v29;
	_ =	sdelay $0x1  }
0x42: {  	v32 =	vld [tilespmem:$0x420];
	v0 =	vadd.f32 v0, v30;
	_ =	sdelay $0x1  }
0x43: {  	v0 =	vmul.f32 $2.302585120e+00, v0;
	_ =	sdelay $0x1  }
0x44: {  	v0 =	vmul.f32 $1.442695020e+00, v0  }
0x45: {  	v1 =	vmul.f32 $1.442695020e+00, v32  }
0x46: {  	(erf) = vpow2.f32 v0  }
0x47: {  	(erf) = vpow2.f32 v1;
	_ =	sdelay $0x4  }
0x48: {  	v33 =	vld [tilespmem:$0x620];
	_ =	sdelay $0x1  }
0x49: {  	v34 =	vld [tilespmem:$0x220]  }
0x4a: {  	v35 =	vpop (erf)  }
0x4b: {  	v4 =	vpop (erf)  }
0x4c: {  	v0 =	vmul.f32 v4, v33;
	_ =	sdelay $0x1  }
0x4d: {  	v36 =	vld [tilespmem:$0x430];
	v0 =	vadd.f32 v0, v34;
	_ =	sdelay $0x1  }
0x4e: {  	v0 =	vmul.f32 $2.302585120e+00, v0;
	_ =	sdelay $0x1  }
0x4f: {  	v0 =	vmul.f32 $1.442695020e+00, v0  }
0x50: {  	v1 =	vmul.f32 $1.442695020e+00, v36  }
0x51: {  	(erf) = vpow2.f32 v0  }
0x52: {  	(erf) = vpow2.f32 v1;
	_ =	sdelay $0x4  }
0x53: {  	v37 =	vld [tilespmem:$0x630];
	_ =	sdelay $0x1  }
0x54: {  	v38 =	vld [tilespmem:$0x230]  }
0x55: {  	v39 =	vpop (erf)  }
0x56: {  	v5 =	vpop (erf)  }
0x57: {  	v0 =	vmul.f32 v5, v37;
	_ =	sdelay $0x1  }
0x58: {  	v40 =	vld [tilespmem:$0x440];
	v0 =	vadd.f32 v0, v38;
	_ =	sdelay $0x1  }
0x59: {  	v0 =	vmul.f32 $2.302585120e+00, v0;
	_ =	sdelay $0x1  }
0x5a: {  	v0 =	vmul.f32 $1.442695020e+00, v0  }
0x5b: {  	v1 =	vmul.f32 $1.442695020e+00, v40  }
0x5c: {  	(erf) = vpow2.f32 v0  }
0x5d: {  	(erf) = vpow2.f32 v1;
	_ =	sdelay $0x4  }
0x5e: {  	v41 =	vld [tilespmem:$0x640];
	_ =	sdelay $0x1  }
0x5f: {  	v42 =	vld [tilespmem:$0x240]  }
0x60: {  	v43 =	vpop (erf)  }
0x61: {  	v6 =	vpop (erf)  }
0x62: {  	v0 =	vmul.f32 v6, v41;
	_ =	sdelay $0x1  }
0x63: {  	v44 =	vld [tilespmem:$0x450];
	v0 =	vadd.f32 v0, v42;
	_ =	sdelay $0x1  }
0x64: {  	v0 =	vmul.f32 $2.302585120e+00, v0;
	_ =	sdelay $0x1  }
0x65: {  	v0 =	vmul.f32 $1.442695020e+00, v0  }
0x66: {  	v1 =	vmul.f32 $1.442695020e+00, v44  }
0x67: {  	(erf) = vpow2.f32 v0  }
0x68: {  	(erf) = vpow2.f32 v1;
	_ =	sdelay $0x4  }
0x69: {  	v45 =	vld [tilespmem:$0x650];
	_ =	sdelay $0x1  }
0x6a: {  	v46 =	vld [tilespmem:$0x250]  }
0x6b: {  	v47 =	vpop (erf)  }
0x6c: {  	v7 =	vpop (erf)  }
0x6d: {  	v0 =	vmul.f32 v7, v45;
	_ =	sdelay $0x1  }
0x6e: {  	v48 =	vld [tilespmem:$0x460];
	v0 =	vadd.f32 v0, v46;
	_ =	sdelay $0x1  }
0x6f: {  	v0 =	vmul.f32 $2.302585120e+00, v0;
	_ =	sdelay $0x1  }
0x70: {  	v0 =	vmul.f32 $1.442695020e+00, v0  }
0x71: {  	v1 =	vmul.f32 $1.442695020e+00, v48  }
0x72: {  	(erf) = vpow2.f32 v0  }
0x73: {  	(erf) = vpow2.f32 v1;
	_ =	sdelay $0x4  }
0x74: {  	v49 =	vld [tilespmem:$0x660];
	_ =	sdelay $0x1  }
0x75: {  	v50 =	vld [tilespmem:$0x260]  }
0x76: {  	v51 =	vpop (erf)  }
0x77: {  	v8 =	vpop (erf)  }
0x78: {  	v0 =	vmul.f32 v8, v49;
	_ =	sdelay $0x1  }
0x79: {  	v52 =	vld [tilespmem:$0x470];
	v0 =	vadd.f32 v0, v50;
	_ =	sdelay $0x1  }
0x7a: {  	v0 =	vmul.f32 $2.302585120e+00, v0;
	_ =	sdelay $0x1  }
0x7b: {  	v0 =	vmul.f32 $1.442695020e+00, v0  }
0x7c: {  	v1 =	vmul.f32 $1.442695020e+00, v52  }
0x7d: {  	(erf) = vpow2.f32 v0  }
0x7e: {  	(erf) = vpow2.f32 v1;
	_ =	sdelay $0x4  }
0x7f: {  	v53 =	vld [tilespmem:$0x670];
	_ =	sdelay $0x1  }
0x80: {  	v54 =	vld [tilespmem:$0x270]  }
0x81: {  	v55 =	vpop (erf)  }
0x82: {  	v9 =	vpop (erf)  }
0x83: {  	v0 =	vmul.f32 v9, v53;
	_ =	sdelay $0x1  }
0x84: {  	v0 =	vadd.f32 v0, v54;
	_ =	sdelay $0x1  }
0x85: {  	v0 =	vmul.f32 $2.302585120e+00, v0;
	_ =	sdelay $0x1  }
0x86: {  	v0 =	vmul.f32 $1.442695020e+00, v0;
	_ =	sdelay $0x1  }
0x87: {  	(erf) = vpow2.f32 v0;
	_ =	sdelay $0x2  }
0x88: {  	[tilespmem:$0x800] =	vst v31  }
0x89: {  	[tilespmem:$0x810] =	vst v35  }
0x8a: {  	[tilespmem:$0x820] =	vst v39  }
0x8b: {  	[tilespmem:$0x830] =	vst v43  }
0x8c: {  	[tilespmem:$0x840] =	vst v47  }
0x8d: {  	[tilespmem:$0x850] =	vst v51  }
0x8e: {  	[tilespmem:$0x860] =	vst v55;
	v0 =	vpop (erf)  }
0x8f: {  	[tilespmem:$0x870] =	vst v0  }
0x90: {  	_ =	swait.ge [sflag:s24], $0x80  }
0x91: {  	[sflag:s24] =	ssyncset.done $0x0  }
0x92: {  	[sflag:s24] =	ssyncadd.s32 $0xFFFFFF80  }
0x93: {  	_ =	swait.ge [sflag:s24], $0x80  }
0x94: {  	[sflag:s24] =	ssyncset.done $0x0  }
0x95: {  	[sflag:s24] =	ssyncadd.s32 $0xFFFFFF80  }
0x96: {  	v56 =	vld [tilespmem:$0x480];
	_ =	sdelay $0x4  }
0x97: {  	v0 =	vmul.f32 $1.442695020e+00, v56;
	_ =	sdelay $0x1  }
0x98: {  	(erf) = vpow2.f32 v0;
	_ =	sdelay $0x4  }
0x99: {  	v57 =	vld [tilespmem:$0x680];
	_ =	sdelay $0x1  }
0x9a: {  	v58 =	vld [tilespmem:$0x280];
	_ =	sdelay $0x1  }
0x9b: {  	v59 =	vpop (erf)  }
0x9c: {  	v0 =	vmul.f32 v59, v57;
	_ =	sdelay $0x1  }
0x9d: {  	v60 =	vld [tilespmem:$0x490];
	v0 =	vadd.f32 v0, v58;
	_ =	sdelay $0x1  }
0x9e: {  	v0 =	vmul.f32 $2.302585120e+00, v0;
	_ =	sdelay $0x1  }
0x9f: {  	v0 =	vmul.f32 $1.442695020e+00, v0  }
0xa0: {  	v1 =	vmul.f32 $1.442695020e+00, v60  }
0xa1: {  	(erf) = vpow2.f32 v0  }
0xa2: {  	(erf) = vpow2.f32 v1;
	_ =	sdelay $0x4  }
0xa3: {  	v61 =	vld [tilespmem:$0x690];
	_ =	sdelay $0x1  }
0xa4: {  	v62 =	vld [tilespmem:$0x290]  }
0xa5: {  	v63 =	vpop (erf)  }
0xa6: {  	v10 =	vpop (erf)  }
0xa7: {  	v0 =	vmul.f32 v10, v61;
	_ =	sdelay $0x1  }
0xa8: {  	v11 =	vld [tilespmem:$0x4A0];
	v0 =	vadd.f32 v0, v62;
	_ =	sdelay $0x1  }
0xa9: {  	v0 =	vmul.f32 $2.302585120e+00, v0;
	_ =	sdelay $0x1  }
0xaa: {  	v0 =	vmul.f32 $1.442695020e+00, v0  }
0xab: {  	v1 =	vmul.f32 $1.442695020e+00, v11  }
0xac: {  	(erf) = vpow2.f32 v0  }
0xad: {  	(erf) = vpow2.f32 v1;
	_ =	sdelay $0x4  }
0xae: {  	v12 =	vld [tilespmem:$0x6A0];
	_ =	sdelay $0x1  }
0xaf: {  	v13 =	vld [tilespmem:$0x2A0]  }
0xb0: {  	v14 =	vpop (erf)  }
0xb1: {  	v15 =	vpop (erf)  }
0xb2: {  	v0 =	vmul.f32 v15, v12;
	_ =	sdelay $0x1  }
0xb3: {  	v16 =	vld [tilespmem:$0x4B0];
	v0 =	vadd.f32 v0, v13;
	_ =	sdelay $0x1  }
0xb4: {  	v0 =	vmul.f32 $2.302585120e+00, v0;
	_ =	sdelay $0x1  }
0xb5: {  	v0 =	vmul.f32 $1.442695020e+00, v0  }
0xb6: {  	v1 =	vmul.f32 $1.442695020e+00, v16  }
0xb7: {  	(erf) = vpow2.f32 v0  }
0xb8: {  	(erf) = vpow2.f32 v1;
	_ =	sdelay $0x4  }
0xb9: {  	v17 =	vld [tilespmem:$0x6B0];
	_ =	sdelay $0x1  }
0xba: {  	v18 =	vld [tilespmem:$0x2B0]  }
0xbb: {  	v19 =	vpop (erf)  }
0xbc: {  	v20 =	vpop (erf)  }
0xbd: {  	v0 =	vmul.f32 v20, v17;
	_ =	sdelay $0x1  }
0xbe: {  	v21 =	vld [tilespmem:$0x4C0];
	v0 =	vadd.f32 v0, v18;
	_ =	sdelay $0x1  }
0xbf: {  	v0 =	vmul.f32 $2.302585120e+00, v0;
	_ =	sdelay $0x1  }
0xc0: {  	v0 =	vmul.f32 $1.442695020e+00, v0  }
0xc1: {  	v1 =	vmul.f32 $1.442695020e+00, v21  }
0xc2: {  	(erf) = vpow2.f32 v0  }
0xc3: {  	(erf) = vpow2.f32 v1;
	_ =	sdelay $0x4  }
0xc4: {  	v22 =	vld [tilespmem:$0x6C0];
	_ =	sdelay $0x1  }
0xc5: {  	v23 =	vld [tilespmem:$0x2C0]  }
0xc6: {  	v24 =	vpop (erf)  }
0xc7: {  	v25 =	vpop (erf)  }
0xc8: {  	v0 =	vmul.f32 v25, v22;
	_ =	sdelay $0x1  }
0xc9: {  	v26 =	vld [tilespmem:$0x4D0];
	v0 =	vadd.f32 v0, v23;
	_ =	sdelay $0x1  }
0xca: {  	v0 =	vmul.f32 $2.302585120e+00, v0;
	_ =	sdelay $0x1  }
0xcb: {  	v0 =	vmul.f32 $1.442695020e+00, v0  }
0xcc: {  	v1 =	vmul.f32 $1.442695020e+00, v26  }
0xcd: {  	(erf) = vpow2.f32 v0  }
0xce: {  	(erf) = vpow2.f32 v1;
	_ =	sdelay $0x4  }
0xcf: {  	v27 =	vld [tilespmem:$0x6D0];
	_ =	sdelay $0x1  }
0xd0: {  	v28 =	vld [tilespmem:$0x2D0]  }
0xd1: {  	v29 =	vpop (erf)  }
0xd2: {  	v30 =	vpop (erf)  }
0xd3: {  	v0 =	vmul.f32 v30, v27;
	_ =	sdelay $0x1  }
0xd4: {  	v31 =	vld [tilespmem:$0x4E0];
	v0 =	vadd.f32 v0, v28;
	_ =	sdelay $0x1  }
0xd5: {  	v0 =	vmul.f32 $2.302585120e+00, v0;
	_ =	sdelay $0x1  }
0xd6: {  	v0 =	vmul.f32 $1.442695020e+00, v0  }
0xd7: {  	v1 =	vmul.f32 $1.442695020e+00, v31  }
0xd8: {  	(erf) = vpow2.f32 v0  }
0xd9: {  	(erf) = vpow2.f32 v1;
	_ =	sdelay $0x4  }
0xda: {  	v32 =	vld [tilespmem:$0x6E0];
	_ =	sdelay $0x1  }
0xdb: {  	v33 =	vld [tilespmem:$0x2E0]  }
0xdc: {  	v34 =	vpop (erf)  }
0xdd: {  	v35 =	vpop (erf)  }
0xde: {  	v0 =	vmul.f32 v35, v32;
	_ =	sdelay $0x1  }
0xdf: {  	v36 =	vld [tilespmem:$0x4F0];
	v0 =	vadd.f32 v0, v33;
	_ =	sdelay $0x1  }
0xe0: {  	v0 =	vmul.f32 $2.302585120e+00, v0;
	_ =	sdelay $0x1  }
0xe1: {  	v0 =	vmul.f32 $1.442695020e+00, v0  }
0xe2: {  	v1 =	vmul.f32 $1.442695020e+00, v36  }
0xe3: {  	(erf) = vpow2.f32 v0  }
0xe4: {  	(erf) = vpow2.f32 v1;
	_ =	sdelay $0x4  }
0xe5: {  	v37 =	vld [tilespmem:$0x6F0];
	_ =	sdelay $0x1  }
0xe6: {  	v38 =	vld [tilespmem:$0x2F0]  }
0xe7: {  	v39 =	vpop (erf)  }
0xe8: {  	v40 =	vpop (erf)  }
0xe9: {  	v0 =	vmul.f32 v40, v37;
	_ =	sdelay $0x1  }
0xea: {  	v0 =	vadd.f32 v0, v38;
	_ =	sdelay $0x1  }
0xeb: {  	v0 =	vmul.f32 $2.302585120e+00, v0;
	_ =	sdelay $0x1  }
0xec: {  	v0 =	vmul.f32 $1.442695020e+00, v0;
	_ =	sdelay $0x1  }
0xed: {  	(erf) = vpow2.f32 v0;
	_ =	sdelay $0x2  }
0xee: {  	[tilespmem:$0x880] =	vst v63  }
0xef: {  	[tilespmem:$0x890] =	vst v14  }
0xf0: {  	[tilespmem:$0x8A0] =	vst v19  }
0xf1: {  	[tilespmem:$0x8B0] =	vst v24  }
0xf2: {  	[tilespmem:$0x8C0] =	vst v29  }
0xf3: {  	[tilespmem:$0x8D0] =	vst v34  }
0xf4: {  	[tilespmem:$0x8E0] =	vst v39;
	v0 =	vpop (erf)  }
0xf5: {  	[tilespmem:$0x8F0] =	vst v0  }
0xf6: {  	_ =	swait.ge [sflag:s25], $0x80  }
0xf7: {  	[sflag:s25] =	ssyncset.done $0x0  }
0xf8: {  	[sflag:s25] =	ssyncadd.s32 $0xFFFFFF80  }
0xf9: {  	_ =	swait.ge [sflag:s25], $0x80  }
0xfa: {  	[sflag:s25] =	ssyncset.done $0x0  }
0xfb: {  	[sflag:s25] =	ssyncadd.s32 $0xFFFFFF80  }
0xfc: {  	v41 =	vld [tilespmem:$0x500];
	_ =	sdelay $0x4  }
0xfd: {  	v0 =	vmul.f32 $1.442695020e+00, v41;
	_ =	sdelay $0x1  }
0xfe: {  	(erf) = vpow2.f32 v0;
	_ =	sdelay $0x4  }
0xff: {  	v42 =	vld [tilespmem:$0x700];
	_ =	sdelay $0x1  }
0x100: {  	v43 =	vld [tilespmem:$0x300];
	_ =	sdelay $0x1  }
0x101: {  	v44 =	vpop (erf)  }
0x102: {  	v0 =	vmul.f32 v44, v42;
	_ =	sdelay $0x1  }
0x103: {  	v45 =	vld [tilespmem:$0x510];
	v0 =	vadd.f32 v0, v43;
	_ =	sdelay $0x1  }
0x104: {  	v0 =	vmul.f32 $2.302585120e+00, v0;
	_ =	sdelay $0x1  }
0x105: {  	v0 =	vmul.f32 $1.442695020e+00, v0  }
0x106: {  	v1 =	vmul.f32 $1.442695020e+00, v45  }
0x107: {  	(erf) = vpow2.f32 v0  }
0x108: {  	(erf) = vpow2.f32 v1;
	_ =	sdelay $0x4  }
0x109: {  	v46 =	vld [tilespmem:$0x710];
	_ =	sdelay $0x1  }
0x10a: {  	v47 =	vld [tilespmem:$0x310]  }
0x10b: {  	v48 =	vpop (erf)  }
0x10c: {  	v49 =	vpop (erf)  }
0x10d: {  	v0 =	vmul.f32 v49, v46;
	_ =	sdelay $0x1  }
0x10e: {  	v50 =	vld [tilespmem:$0x520];
	v0 =	vadd.f32 v0, v47;
	_ =	sdelay $0x1  }
0x10f: {  	v0 =	vmul.f32 $2.302585120e+00, v0;
	_ =	sdelay $0x1  }
0x110: {  	v0 =	vmul.f32 $1.442695020e+00, v0  }
0x111: {  	v1 =	vmul.f32 $1.442695020e+00, v50  }
0x112: {  	(erf) = vpow2.f32 v0  }
0x113: {  	(erf) = vpow2.f32 v1;
	_ =	sdelay $0x4  }
0x114: {  	v51 =	vld [tilespmem:$0x720];
	_ =	sdelay $0x1  }
0x115: {  	v52 =	vld [tilespmem:$0x320]  }
0x116: {  	v53 =	vpop (erf)  }
0x117: {  	v54 =	vpop (erf)  }
0x118: {  	v0 =	vmul.f32 v54, v51;
	_ =	sdelay $0x1  }
0x119: {  	v55 =	vld [tilespmem:$0x530];
	v0 =	vadd.f32 v0, v52;
	_ =	sdelay $0x1  }
0x11a: {  	v0 =	vmul.f32 $2.302585120e+00, v0;
	_ =	sdelay $0x1  }
0x11b: {  	v0 =	vmul.f32 $1.442695020e+00, v0  }
0x11c: {  	v1 =	vmul.f32 $1.442695020e+00, v55  }
0x11d: {  	(erf) = vpow2.f32 v0  }
0x11e: {  	(erf) = vpow2.f32 v1;
	_ =	sdelay $0x4  }
0x11f: {  	v56 =	vld [tilespmem:$0x730];
	_ =	sdelay $0x1  }
0x120: {  	v57 =	vld [tilespmem:$0x330]  }
0x121: {  	v58 =	vpop (erf)  }
0x122: {  	v59 =	vpop (erf)  }
0x123: {  	v0 =	vmul.f32 v59, v56;
	_ =	sdelay $0x1  }
0x124: {  	v60 =	vld [tilespmem:$0x540];
	v0 =	vadd.f32 v0, v57;
	_ =	sdelay $0x1  }
0x125: {  	v0 =	vmul.f32 $2.302585120e+00, v0;
	_ =	sdelay $0x1  }
0x126: {  	v0 =	vmul.f32 $1.442695020e+00, v0  }
0x127: {  	v1 =	vmul.f32 $1.442695020e+00, v60  }
0x128: {  	(erf) = vpow2.f32 v0  }
0x129: {  	(erf) = vpow2.f32 v1;
	_ =	sdelay $0x4  }
0x12a: {  	v61 =	vld [tilespmem:$0x740];
	_ =	sdelay $0x1  }
0x12b: {  	v62 =	vld [tilespmem:$0x340]  }
0x12c: {  	v63 =	vpop (erf)  }
0x12d: {  	v9 =	vpop (erf)  }
0x12e: {  	v0 =	vmul.f32 v9, v61;
	_ =	sdelay $0x1  }
0x12f: {  	v10 =	vld [tilespmem:$0x550];
	v0 =	vadd.f32 v0, v62;
	_ =	sdelay $0x1  }
0x130: {  	v0 =	vmul.f32 $2.302585120e+00, v0;
	_ =	sdelay $0x1  }
0x131: {  	v0 =	vmul.f32 $1.442695020e+00, v0  }
0x132: {  	v1 =	vmul.f32 $1.442695020e+00, v10  }
0x133: {  	(erf) = vpow2.f32 v0  }
0x134: {  	(erf) = vpow2.f32 v1;
	_ =	sdelay $0x4  }
0x135: {  	v11 =	vld [tilespmem:$0x750];
	_ =	sdelay $0x1  }
0x136: {  	v12 =	vld [tilespmem:$0x350]  }
0x137: {  	v13 =	vpop (erf)  }
0x138: {  	v14 =	vpop (erf)  }
0x139: {  	v0 =	vmul.f32 v14, v11;
	_ =	sdelay $0x1  }
0x13a: {  	v15 =	vld [tilespmem:$0x560];
	v0 =	vadd.f32 v0, v12;
	_ =	sdelay $0x1  }
0x13b: {  	v0 =	vmul.f32 $2.302585120e+00, v0;
	_ =	sdelay $0x1  }
0x13c: {  	v0 =	vmul.f32 $1.442695020e+00, v0  }
0x13d: {  	v1 =	vmul.f32 $1.442695020e+00, v15  }
0x13e: {  	(erf) = vpow2.f32 v0  }
0x13f: {  	(erf) = vpow2.f32 v1;
	_ =	sdelay $0x4  }
0x140: {  	v16 =	vld [tilespmem:$0x760];
	_ =	sdelay $0x1  }
0x141: {  	v17 =	vld [tilespmem:$0x360]  }
0x142: {  	v18 =	vpop (erf)  }
0x143: {  	v19 =	vpop (erf)  }
0x144: {  	v0 =	vmul.f32 v19, v16;
	_ =	sdelay $0x1  }
0x145: {  	v20 =	vld [tilespmem:$0x570];
	v0 =	vadd.f32 v0, v17;
	_ =	sdelay $0x1  }
0x146: {  	v0 =	vmul.f32 $2.302585120e+00, v0;
	_ =	sdelay $0x1  }
0x147: {  	v0 =	vmul.f32 $1.442695020e+00, v0  }
0x148: {  	v1 =	vmul.f32 $1.442695020e+00, v20  }
0x149: {  	(erf) = vpow2.f32 v0  }
0x14a: {  	(erf) = vpow2.f32 v1;
	_ =	sdelay $0x4  }
0x14b: {  	v21 =	vld [tilespmem:$0x770];
	_ =	sdelay $0x1  }
0x14c: {  	v22 =	vld [tilespmem:$0x370]  }
0x14d: {  	v23 =	vpop (erf)  }
0x14e: {  	v24 =	vpop (erf)  }
0x14f: {  	v0 =	vmul.f32 v24, v21;
	_ =	sdelay $0x1  }
0x150: {  	v0 =	vadd.f32 v0, v22;
	_ =	sdelay $0x1  }
0x151: {  	v0 =	vmul.f32 $2.302585120e+00, v0;
	_ =	sdelay $0x1  }
0x152: {  	v0 =	vmul.f32 $1.442695020e+00, v0;
	_ =	sdelay $0x1  }
0x153: {  	(erf) = vpow2.f32 v0;
	_ =	sdelay $0x2  }
0x154: {  	[tilespmem:$0x900] =	vst v48  }
0x155: {  	[tilespmem:$0x910] =	vst v53  }
0x156: {  	[tilespmem:$0x920] =	vst v58  }
0x157: {  	[tilespmem:$0x930] =	vst v63  }
0x158: {  	[tilespmem:$0x940] =	vst v13  }
0x159: {  	[tilespmem:$0x950] =	vst v18  }
0x15a: {  	[tilespmem:$0x960] =	vst v23;
	v0 =	vpop (erf)  }
0x15b: {  	[tilespmem:$0x970] =	vst v0  }
0x15c: {  	_ =	swait.ge [sflag:s26], $0x80  }
0x15d: {  	[sflag:s26] =	ssyncset.done $0x0  }
0x15e: {  	[sflag:s26] =	ssyncadd.s32 $0xFFFFFF80  }
0x15f: {  	_ =	swait.ge [sflag:s26], $0x80  }
0x160: {  	[sflag:s26] =	ssyncset.done $0x0  }
0x161: {  	[sflag:s26] =	ssyncadd.s32 $0xFFFFFF80  }
0x162: {  	v25 =	vld [tilespmem:$0x580];
	_ =	sdelay $0x4  }
0x163: {  	v0 =	vmul.f32 $1.442695020e+00, v25;
	_ =	sdelay $0x1  }
0x164: {  	(erf) = vpow2.f32 v0;
	_ =	sdelay $0x4  }
0x165: {  	v26 =	vld [tilespmem:$0x780];
	_ =	sdelay $0x1  }
0x166: {  	v27 =	vld [tilespmem:$0x380];
	_ =	sdelay $0x1  }
0x167: {  	v28 =	vpop (erf)  }
0x168: {  	v0 =	vmul.f32 v28, v26;
	_ =	sdelay $0x1  }
0x169: {  	v29 =	vld [tilespmem:$0x590];
	v0 =	vadd.f32 v0, v27;
	_ =	sdelay $0x1  }
0x16a: {  	v0 =	vmul.f32 $2.302585120e+00, v0;
	_ =	sdelay $0x1  }
0x16b: {  	v0 =	vmul.f32 $1.442695020e+00, v0  }
0x16c: {  	v1 =	vmul.f32 $1.442695020e+00, v29  }
0x16d: {  	(erf) = vpow2.f32 v0  }
0x16e: {  	(erf) = vpow2.f32 v1;
	_ =	sdelay $0x4  }
0x16f: {  	v30 =	vld [tilespmem:$0x790];
	_ =	sdelay $0x1  }
0x170: {  	v31 =	vld [tilespmem:$0x390]  }
0x171: {  	v32 =	vpop (erf)  }
0x172: {  	v33 =	vpop (erf)  }
0x173: {  	v0 =	vmul.f32 v33, v30;
	_ =	sdelay $0x1  }
0x174: {  	v34 =	vld [tilespmem:$0x5A0];
	v0 =	vadd.f32 v0, v31;
	_ =	sdelay $0x1  }
0x175: {  	v0 =	vmul.f32 $2.302585120e+00, v0;
	_ =	sdelay $0x1  }
0x176: {  	v0 =	vmul.f32 $1.442695020e+00, v0  }
0x177: {  	v1 =	vmul.f32 $1.442695020e+00, v34  }
0x178: {  	(erf) = vpow2.f32 v0  }
0x179: {  	(erf) = vpow2.f32 v1;
	_ =	sdelay $0x4  }
0x17a: {  	v35 =	vld [tilespmem:$0x7A0];
	_ =	sdelay $0x1  }
0x17b: {  	v36 =	vld [tilespmem:$0x3A0]  }
0x17c: {  	v37 =	vpop (erf)  }
0x17d: {  	v38 =	vpop (erf)  }
0x17e: {  	v0 =	vmul.f32 v38, v35;
	_ =	sdelay $0x1  }
0x17f: {  	v39 =	vld [tilespmem:$0x5B0];
	v0 =	vadd.f32 v0, v36;
	_ =	sdelay $0x1  }
0x180: {  	v0 =	vmul.f32 $2.302585120e+00, v0;
	_ =	sdelay $0x1  }
0x181: {  	v0 =	vmul.f32 $1.442695020e+00, v0  }
0x182: {  	v1 =	vmul.f32 $1.442695020e+00, v39  }
0x183: {  	(erf) = vpow2.f32 v0  }
0x184: {  	(erf) = vpow2.f32 v1;
	_ =	sdelay $0x4  }
0x185: {  	v40 =	vld [tilespmem:$0x7B0];
	_ =	sdelay $0x1  }
0x186: {  	v41 =	vld [tilespmem:$0x3B0]  }
0x187: {  	v42 =	vpop (erf)  }
0x188: {  	v43 =	vpop (erf)  }
0x189: {  	v0 =	vmul.f32 v43, v40;
	_ =	sdelay $0x1  }
0x18a: {  	v44 =	vld [tilespmem:$0x5C0];
	v0 =	vadd.f32 v0, v41;
	_ =	sdelay $0x1  }
0x18b: {  	v0 =	vmul.f32 $2.302585120e+00, v0;
	_ =	sdelay $0x1  }
0x18c: {  	v0 =	vmul.f32 $1.442695020e+00, v0  }
0x18d: {  	v1 =	vmul.f32 $1.442695020e+00, v44  }
0x18e: {  	(erf) = vpow2.f32 v0  }
0x18f: {  	(erf) = vpow2.f32 v1;
	_ =	sdelay $0x4  }
0x190: {  	v45 =	vld [tilespmem:$0x7C0];
	_ =	sdelay $0x1  }
0x191: {  	v46 =	vld [tilespmem:$0x3C0]  }
0x192: {  	v47 =	vpop (erf)  }
0x193: {  	v48 =	vpop (erf)  }
0x194: {  	v0 =	vmul.f32 v48, v45;
	_ =	sdelay $0x1  }
0x195: {  	v49 =	vld [tilespmem:$0x5D0];
	v0 =	vadd.f32 v0, v46;
	_ =	sdelay $0x1  }
0x196: {  	v0 =	vmul.f32 $2.302585120e+00, v0;
	_ =	sdelay $0x1  }
0x197: {  	v0 =	vmul.f32 $1.442695020e+00, v0  }
0x198: {  	v1 =	vmul.f32 $1.442695020e+00, v49  }
0x199: {  	(erf) = vpow2.f32 v0  }
0x19a: {  	(erf) = vpow2.f32 v1;
	_ =	sdelay $0x4  }
0x19b: {  	v50 =	vld [tilespmem:$0x7D0];
	_ =	sdelay $0x1  }
0x19c: {  	v51 =	vld [tilespmem:$0x3D0]  }
0x19d: {  	v52 =	vpop (erf)  }
0x19e: {  	v53 =	vpop (erf)  }
0x19f: {  	v0 =	vmul.f32 v53, v50;
	_ =	sdelay $0x1  }
0x1a0: {  	v54 =	vld [tilespmem:$0x5E0];
	v0 =	vadd.f32 v0, v51;
	_ =	sdelay $0x1  }
0x1a1: {  	v0 =	vmul.f32 $2.302585120e+00, v0;
	_ =	sdelay $0x1  }
0x1a2: {  	v0 =	vmul.f32 $1.442695020e+00, v0  }
0x1a3: {  	v1 =	vmul.f32 $1.442695020e+00, v54  }
0x1a4: {  	(erf) = vpow2.f32 v0  }
0x1a5: {  	(erf) = vpow2.f32 v1;
	_ =	sdelay $0x4  }
0x1a6: {  	v55 =	vld [tilespmem:$0x7E0];
	_ =	sdelay $0x1  }
0x1a7: {  	v56 =	vld [tilespmem:$0x3E0]  }
0x1a8: {  	v57 =	vpop (erf)  }
0x1a9: {  	v58 =	vpop (erf)  }
0x1aa: {  	v0 =	vmul.f32 v58, v55;
	_ =	sdelay $0x1  }
0x1ab: {  	v59 =	vld [tilespmem:$0x5F0];
	v0 =	vadd.f32 v0, v56;
	_ =	sdelay $0x1  }
0x1ac: {  	v0 =	vmul.f32 $2.302585120e+00, v0;
	_ =	sdelay $0x1  }
0x1ad: {  	v0 =	vmul.f32 $1.442695020e+00, v0  }
0x1ae: {  	v1 =	vmul.f32 $1.442695020e+00, v59  }
0x1af: {  	(erf) = vpow2.f32 v0  }
0x1b0: {  	(erf) = vpow2.f32 v1;
	_ =	sdelay $0x4  }
0x1b1: {  	v60 =	vld [tilespmem:$0x7F0];
	_ =	sdelay $0x1  }
0x1b2: {  	v61 =	vld [tilespmem:$0x3F0]  }
0x1b3: {  	v62 =	vpop (erf)  }
0x1b4: {  	v63 =	vpop (erf)  }
0x1b5: {  	v0 =	vmul.f32 v63, v60;
	_ =	sdelay $0x1  }
0x1b6: {  	v0 =	vadd.f32 v0, v61;
	_ =	sdelay $0x1  }
0x1b7: {  	v0 =	vmul.f32 $2.302585120e+00, v0;
	_ =	sdelay $0x1  }
0x1b8: {  	v0 =	vmul.f32 $1.442695020e+00, v0;
	_ =	sdelay $0x1  }
0x1b9: {  	(erf) = vpow2.f32 v0;
	_ =	sdelay $0x2  }
0x1ba: {  	[tilespmem:$0x980] =	vst v32  }
0x1bb: {  	[tilespmem:$0x990] =	vst v37  }
0x1bc: {  	[tilespmem:$0x9A0] =	vst v42  }
0x1bd: {  	[tilespmem:$0x9B0] =	vst v47  }
0x1be: {  	[tilespmem:$0x9C0] =	vst v52  }
0x1bf: {  	[tilespmem:$0x9D0] =	vst v57  }
0x1c0: {  	p0 =	sne.s32 s8, $0x1;
	[tilespmem:$0x9E0] =	vst v62;
	v0 =	vpop (erf)  }
.Ltmp0:
0x1c1: {  	[tilespmem:$0x9F0] =	vst v0;
	(pc) =	sbr.rel @p0 .LBB2_1-.Ltmp0, $4  }
0x1c2: {  	[hbm4b:s7+s4] =	stream.linear.scatter [tilespmem:s28], [sflag:$0x7], $0x200, $0x38;
	[tilespmem:$0xA00] =	vst v63  }
0x1c3: {  	_ =	swait.ge [sflag:s29], $0x200  }
0x1c4: {  	[sflag:s29] =	ssyncset.done $0x0  }
0x1c5: {  	s8 =	sadd.s32 $0xFFFFFFFF, s8;
	[sflag:s29] =	ssyncadd.s32 $0xFFFFFE00  }
0x1c6: {  	_ =	sfence.sel $0x180000  }
0x1c7: {  	[bflag:$0x0] =	sbarrier.arrive $0xFFFF  }
0x1c8: {  	p0 =	sne.s32 s3, $0x0;
	_ =	strace $0x90000047  }
0x1c9: {  	s0 =	sadd.s32 @!p0 $0x100000, s0;
	[bflag:$0x2] =	sbarrier.arrive $0xFFFF  }
0x1ca: {  	[sflag:s0] =	ssyncadd.tile.s32 @!p0 $0x1;
	_ =	shalt  }
.Lfunc_end2:
_tile_overlayer_lowered:
.L_overlay_start_2:
0x1cb: {  	(tag) =	ssettag $0x2  }
0x1cc: {  	s0 =	rddreg [dreg:$0x0];
	s2 =	stileid.u32  }
0x1cd: {  	s1 =	rddreg [dreg:$0x1];
	p0 =	sne.s32 s2, $0x0  }
0x1ce: {  	s3 =	rddreg [dreg:$0x2];
	[bflag:$0x3] =	sbarrier.arrive $0xFFFF;
	s2 =	simm.s32 @!p0 $0x1C07  }
0x1cf: {  	[timem:s3], [sflag:s2] =	dma.local @!p0 [hbm:s0], s1  }
0x1d0: {  	s0 =	simm.s32 @!p0 $0x7  }
0x1d1: {  	_ =	swait.ge @!p0 [sflag:s0], s1  }
0x1d2: {  	s1 =	ssub.s32 @!p0 $0x0, s1;
	[sflag:s0] =	ssyncset.done @!p0 $0x0  }
0x1d3: {  	[sflag:s0] =	ssyncadd.s32 @!p0 s1  }
0x1d4: {  	[bflag:$0x3] =	sbarrier.arrive $0xFFFF  }
0x1d5: {  	_ =	shalt  }

</sc_bundles>
